<compile_context>
chip_gen: v7x
topology: tpu7x:2x2x1
jax: 0.10.2.dev20260603
libtpu: 0.0.44.dev20260713+nightly
codegen_flags: <defaults>
</compile_context>

<pallas_src>
import functools

import jax
import jax.numpy as jnp
from jax import lax
from jax.experimental import pallas as pl
from jax.experimental.pallas import tpu as pltpu
from jax.experimental.pallas import tpu_sc as plsc

_B = 8
_N = 2048
_K = 20
_RT = 256
_PT = 128
_TS = 1024
_NW = 32
_CW = 128
_EPS = 1e-5



def _knn_body(xr_ref, xa_ref, idx_ref, dscr):
    xr = xr_ref[0]
    xa = xa_ref[0]
    n = xa.shape[0]
    rt = xr.shape[0]
    xx_r = jnp.sum(xr * xr, axis=1, keepdims=True)
    xx_a = jnp.sum(xa * xa, axis=1)[None, :]
    inner = lax.dot_general(xr.astype(jnp.bfloat16), xa.astype(jnp.bfloat16),
                            (((1,), (1,)), ((), ())),
                            preferred_element_type=jnp.float32)
    dscr[...] = xx_r + xx_a - 2.0 * inner

    iota = lax.broadcasted_iota(jnp.int32, (rt, n), 1)
    lane = lax.broadcasted_iota(jnp.int32, (rt, 32), 1)

    def it_body(it, acc):
        d = dscr[...]
        m = jnp.min(d, axis=1, keepdims=True)
        am = jnp.min(jnp.where(d == m, iota, n), axis=1)
        dscr[...] = jnp.where(iota == am[:, None], jnp.float32(jnp.inf), d)
        return jnp.where(lane == it, am[:, None], acc)

    acc = lax.fori_loop(0, _K, it_body, jnp.zeros((rt, 32), jnp.int32))
    b = pl.program_id(0)
    idx_ref[0] = acc[:, :_K] + b * n


def _knn(x):
    B, N, C = x.shape
    return pl.pallas_call(
        _knn_body,
        grid=(B, N // _RT),
        in_specs=[
            pl.BlockSpec((1, _RT, C), lambda b, t: (b, t, 0)),
            pl.BlockSpec((1, N, C), lambda b, t: (b, 0, 0)),
        ],
        out_specs=pl.BlockSpec((1, _RT, _K), lambda b, t: (b, t, 0)),
        out_shape=jax.ShapeDtypeStruct((B, N, _K), jnp.int32),
        scratch_shapes=[pltpu.VMEM((_RT, N), jnp.float32)],
    )(x, x)



@functools.lru_cache(maxsize=None)
def _sc_gather_fn():
    BN = _B * _N
    PTS = BN // _NW
    BLKP = 4
    NBLK = PTS // BLKP
    mesh = plsc.VectorSubcoreMesh(core_axis_name="c", subcore_axis_name="s")

    @functools.partial(
        pl.kernel, mesh=mesh,
        out_type=jax.ShapeDtypeStruct((BN * _K, _CW), jnp.float32),
        scratch_types=[
            pltpu.VMEM((NBLK, BLKP * _K), jnp.int32),
            pltpu.VMEM((BLKP * _K, _CW), jnp.float32),
            pltpu.SemaphoreType.DMA,
        ],
    )
    def body(x_hbm, idx_hbm, nbr, idx_v, rows, sem):
        wid = lax.axis_index("s") * 2 + lax.axis_index("c")
        base = wid * PTS
        pltpu.sync_copy(idx_hbm.at[pl.ds(wid * NBLK, NBLK)], idx_v)

        def blk(bi, carry):
            pltpu.async_copy(x_hbm.at[idx_v.at[bi]], rows, sem).wait()
            pltpu.sync_copy(rows, nbr.at[pl.ds((base + bi * BLKP) * _K,
                                               BLKP * _K)])
            return carry

        lax.fori_loop(0, NBLK, blk, 0)

    return body


def _sc_gather(xpad2d, idxg2d):
    BN = _B * _N
    BLKP = 4
    idx_rs = idxg2d.reshape(BN // BLKP, BLKP * _K)
    return _sc_gather_fn()(xpad2d, idx_rs)



def _conv_body(nbr_ref, x_ref, w_ref, maxo_ref, sums_ref):
    i = pl.program_id(0)
    xb = x_ref[...]
    nb = nbr_ref[...]
    pt = xb.shape[0]
    co = maxo_ref.shape[1]
    xr = jnp.broadcast_to(xb[:, None, :], (pt, _K, _CW)).reshape(pt * _K, _CW)
    edge = jnp.concatenate([(nb - xr).astype(jnp.bfloat16),
                            xr.astype(jnp.bfloat16)], axis=1)
    out = jnp.dot(edge, w_ref[...], preferred_element_type=jnp.float32)
    o3 = out.reshape(pt, _K, co)
    m = o3[:, 0, :]
    for j in range(1, _K):
        m = jnp.maximum(m, o3[:, j, :])
    maxo_ref[...] = m
    r0 = jnp.sum(out, axis=0)
    r1 = jnp.sum(out * out, axis=0)
    zero = jnp.zeros_like(r0)

    @pl.when(i == 0)
    def _init():
        sums_ref[...] = jnp.zeros_like(sums_ref)

    sums_ref[...] += jnp.stack([r0, r1, zero, zero, zero, zero, zero, zero],
                               axis=0)


def _conv(nbr, xpad2d, wcat_bf):
    BN, Co = _B * _N, wcat_bf.shape[1]
    return pl.pallas_call(
        _conv_body,
        grid=(BN // _PT,),
        in_specs=[
            pl.BlockSpec((_PT * _K, _CW), lambda i: (i, 0)),
            pl.BlockSpec((_PT, _CW), lambda i: (i, 0)),
            pl.BlockSpec((2 * _CW, Co), lambda i: (0, 0)),
        ],
        out_specs=[
            pl.BlockSpec((_PT, Co), lambda i: (i, 0)),
            pl.BlockSpec((8, Co), lambda i: (0, 0)),
        ],
        out_shape=[
            jax.ShapeDtypeStruct((BN, Co), jnp.float32),
            jax.ShapeDtypeStruct((8, Co), jnp.float32),
        ],
    )(nbr, xpad2d, wcat_bf)



def _apply_body(mo_ref, mu_ref, var_ref, g_ref, b_ref, xn_ref, pmax_ref,
                psum_ref):
    t = pl.program_id(1)
    co = mo_ref.shape[2]
    w_out = xn_ref.shape[2]
    v = mo_ref[0]
    x = (v - mu_ref[...]) / jnp.sqrt(var_ref[...] + _EPS) * g_ref[...] \
        + b_ref[...]
    x = jnp.maximum(x, 0.0)
    if w_out > co:
        xn_ref[0] = jnp.concatenate(
            [x, jnp.zeros((x.shape[0], w_out - co), jnp.float32)], axis=1)
    else:
        xn_ref[0] = x
    pm = jnp.max(x, axis=0, keepdims=True)
    ps = jnp.sum(x, axis=0, keepdims=True)

    @pl.when(t == 0)
    def _init():
        pmax_ref[0] = pm
        psum_ref[0] = ps

    @pl.when(t > 0)
    def _acc():
        pmax_ref[0] = jnp.maximum(pmax_ref[0], pm)
        psum_ref[0] = psum_ref[0] + ps


def _apply(mo, mu, var, gamma, beta):
    B, N, Co = mo.shape
    w_out = max(Co, _CW)
    return pl.pallas_call(
        _apply_body,
        grid=(B, N // _TS),
        in_specs=[
            pl.BlockSpec((1, _TS, Co), lambda b, i: (b, i, 0)),
            pl.BlockSpec((1, Co), lambda b, i: (0, 0)),
            pl.BlockSpec((1, Co), lambda b, i: (0, 0)),
            pl.BlockSpec((1, Co), lambda b, i: (0, 0)),
            pl.BlockSpec((1, Co), lambda b, i: (0, 0)),
        ],
        out_specs=[
            pl.BlockSpec((1, _TS, w_out), lambda b, i: (b, i, 0)),
            pl.BlockSpec((1, 1, Co), lambda b, i: (b, 0, 0)),
            pl.BlockSpec((1, 1, Co), lambda b, i: (b, 0, 0)),
        ],
        out_shape=[
            jax.ShapeDtypeStruct((B, N, w_out), jnp.float32),
            jax.ShapeDtypeStruct((B, 1, Co), jnp.float32),
            jax.ShapeDtypeStruct((B, 1, Co), jnp.float32),
        ],
    )(mo, mu, var, gamma, beta)



def _final_body(gmax_ref, gsum_ref, w1_ref, b1_ref, g1_ref, bb1_ref,
                w2_ref, b2_ref, g2_ref, bb2_ref, out_ref):
    g = jnp.concatenate([gmax_ref[...], gsum_ref[...] * (1.0 / _N)], axis=1)
    h = lax.dot_general(g.astype(jnp.bfloat16), w1_ref[...],
                        (((1,), (1,)), ((), ())),
                        preferred_element_type=jnp.float32) + b1_ref[...]
    mu = jnp.mean(h, axis=1, keepdims=True)
    var = jnp.mean((h - mu) ** 2, axis=1, keepdims=True)
    h = (h - mu) / jnp.sqrt(var + _EPS) * g1_ref[...] + bb1_ref[...]
    h = jnp.maximum(h, 0.0)
    o = lax.dot_general(h.astype(jnp.bfloat16), w2_ref[...],
                        (((1,), (1,)), ((), ())),
                        preferred_element_type=jnp.float32) + b2_ref[...]
    mu2 = jnp.mean(o, axis=1, keepdims=True)
    var2 = jnp.mean((o - mu2) ** 2, axis=1, keepdims=True)
    out_ref[...] = (o - mu2) / jnp.sqrt(var2 + _EPS) * g2_ref[...] + bb2_ref[...]


def _final(gmax, gsum, fc1_w, fc1_b, ln1_g, ln1_b, fc2_w, fc2_b, ln2_g, ln2_b):
    B = gmax.shape[0]
    full = lambda a: pl.BlockSpec(a.shape, lambda: tuple(0 for _ in a.shape))
    args = (gmax, gsum, fc1_w.astype(jnp.bfloat16), fc1_b[None],
            ln1_g[None], ln1_b[None], fc2_w.astype(jnp.bfloat16),
            fc2_b[None], ln2_g[None], ln2_b[None])
    return pl.pallas_call(
        _final_body,
        grid=(),
        in_specs=[full(a) for a in args],
        out_specs=pl.BlockSpec((B, 256), lambda: (0, 0)),
        out_shape=jax.ShapeDtypeStruct((B, 256), jnp.float32),
    )(*args)



def _edge_conv_layer(x, xpad2d, W, gamma, beta):
    B, N = x.shape[:2]
    Co = W.shape[0]
    C = W.shape[1] // 2
    idxg = _knn(x)
    nbr = _sc_gather(xpad2d, idxg.reshape(B * N, _K))
    wcat = jnp.zeros((2 * _CW, Co), jnp.float32)
    wcat = wcat.at[:C, :].set(W[:, :C].T).at[_CW:_CW + C, :].set(W[:, C:].T)
    maxo, sums = _conv(nbr, xpad2d, wcat.astype(jnp.bfloat16))
    M = B * N * _K
    mu = sums[0] / M
    var = sums[1] / M - mu * mu
    xn, pmax, psum = _apply(maxo.reshape(B, N, Co), mu[None], var[None],
                            gamma[None], beta[None])
    return xn, pmax[:, 0], psum[:, 0]


def kernel(points, W1, g1, b1, W2, g2, b2, W3, g3, b3, W4, g4, b4,
           fc1_w, fc1_b, ln1_g, ln1_b, fc2_w, fc2_b, ln2_g, ln2_b):
    B, N, C0 = points.shape
    x = points
    pmaxs, psums = [], []
    for W, g, b in ((W1, g1, b1), (W2, g2, b2), (W3, g3, b3), (W4, g4, b4)):
        if x.shape[2] == _CW:
            xpad2d = x.reshape(B * N, _CW)
        else:
            xpad2d = jnp.zeros((B * N, _CW), jnp.float32).at[:, :x.shape[2]] \
                .set(x.reshape(B * N, x.shape[2]))
        xn, pmax, psum = _edge_conv_layer(x, xpad2d, W, g, b)
        pmaxs.append(pmax)
        psums.append(psum)
        x = xn
    gmax = jnp.concatenate(pmaxs, axis=1)
    gsum = jnp.concatenate(psums, axis=1)
    return _final(gmax, gsum, fc1_w, fc1_b, ln1_g, ln1_b,
                  fc2_w, fc2_b, ln2_g, ln2_b)

# --- scband reference (transcript-rebuilt; emitter-appended) ---
"""Pipeline reference for scband-dgcnnencoder-62354335203515 (READ-ONLY COPY).

The authoritative reference and input builder live on the scoring server;
editing this copy changes nothing except your own understanding.
"""

import jax, jax.numpy as jnp
import numpy as np

K = 20

def knn(x, k):
    # x: (B, N, C) -> idx: (B, N, k) of smallest squared distances
    xx = jnp.sum(x ** 2, axis=2, keepdims=True)
    inner = jnp.einsum('bnc,bmc->bnm', x, x)
    dist = xx + jnp.swapaxes(xx, 1, 2) - 2.0 * inner
    _, idx = jax.lax.top_k(-dist, k)
    return idx

def get_graph_feature(x, k, idx):
    # x: (B, N, C), idx: (B, N, k) -> edge: (B, 2C, N, k)
    B, N, C = x.shape
    idx_base = jnp.arange(B, dtype=idx.dtype)[:, None, None] * N
    flat_idx = (idx + idx_base).reshape(-1)
    x_flat = x.reshape(B * N, C)
    neighbors = jnp.take(x_flat, flat_idx, axis=0).reshape(B, N, k, C)
    x_i = jnp.broadcast_to(x[:, :, None, :], (B, N, k, C))
    edge = jnp.concatenate([neighbors - x_i, x_i], axis=3)
    return jnp.transpose(edge, (0, 3, 1, 2))

def edge_conv(x, W, gamma, beta, k):
    # x: (B, C, N); W: (C_out, 2C)
    x_t = jnp.transpose(x, (0, 2, 1))
    idx = knn(x_t, k)
    feat = get_graph_feature(x_t, k, idx)  # (B, 2C, N, k)
    out = jnp.einsum('oc,bcnk->bonk', W, feat)
    # BatchNorm2d (training-mode batch statistics), gamma/beta learnable
    mean = jnp.mean(out, axis=(0, 2, 3), keepdims=True)
    var = jnp.var(out, axis=(0, 2, 3), keepdims=True)
    out = (out - mean) / jnp.sqrt(var + 1e-5)
    out = out * gamma[None, :, None, None] + beta[None, :, None, None]
    out = jax.nn.relu(out)
    out = jnp.max(out, axis=3)
    return out

def layer_norm(x, g, b):
    mean = jnp.mean(x, axis=-1, keepdims=True)
    var = jnp.var(x, axis=-1, keepdims=True)
    return (x - mean) / jnp.sqrt(var + 1e-5) * g + b

def setup_inputs(seed: int = 0) -> dict:
    key = jax.random.key(seed)
    ks = jax.random.split(key, 8)
    B, N = 8, 2048
    points = jax.random.normal(ks[0], (B, N, 3), dtype=jnp.float32)
    def w(k_, shape):
        return jax.random.normal(k_, shape, dtype=jnp.float32) * 0.05
    W1 = w(ks[1], (64, 6))
    W2 = w(ks[2], (64, 128))
    W3 = w(ks[3], (128, 128))
    W4 = w(ks[4], (256, 256))
    g1, b1 = jnp.ones((64,), jnp.float32), jnp.zeros((64,), jnp.float32)
    g2, b2 = jnp.ones((64,), jnp.float32), jnp.zeros((64,), jnp.float32)
    g3, b3 = jnp.ones((128,), jnp.float32), jnp.zeros((128,), jnp.float32)
    g4, b4 = jnp.ones((256,), jnp.float32), jnp.zeros((256,), jnp.float32)
    fc1_w = w(ks[5], (512, 1024))
    fc1_b = jnp.zeros((512,), jnp.float32)
    fc2_w = w(ks[6], (256, 512))
    fc2_b = jnp.zeros((256,), jnp.float32)
    ln1_g, ln1_b = jnp.ones((512,), jnp.float32), jnp.zeros((512,), jnp.float32)
    ln2_g, ln2_b = jnp.ones((256,), jnp.float32), jnp.zeros((256,), jnp.float32)
    return {"points": points, "W1": W1, "g1": g1, "b1": b1, "W2": W2, "g2": g2, "b2": b2,
            "W3": W3, "g3": g3, "b3": b3, "W4": W4, "g4": g4, "b4": b4,
            "fc1_w": fc1_w, "fc1_b": fc1_b, "ln1_g": ln1_g, "ln1_b": ln1_b,
            "fc2_w": fc2_w, "fc2_b": fc2_b, "ln2_g": ln2_g, "ln2_b": ln2_b}

def reference(points, W1, g1, b1, W2, g2, b2, W3, g3, b3, W4, g4, b4,
              fc1_w, fc1_b, ln1_g, ln1_b, fc2_w, fc2_b, ln2_g, ln2_b):
    x = jnp.transpose(points, (0, 2, 1))  # (B, 3, N)
    x1 = edge_conv(x, W1, g1, b1, K)
    x2 = edge_conv(x1, W2, g2, b2, K)
    x3 = edge_conv(x2, W3, g3, b3, K)
    x4 = edge_conv(x3, W4, g4, b4, K)
    feat = jnp.concatenate([x1, x2, x3, x4], axis=1)  # (B, 512, N)
    g_max = jnp.max(feat, axis=2)
    g_avg = jnp.mean(feat, axis=2)
    g = jnp.concatenate([g_max, g_avg], axis=1)  # (B, 1024)
    g = g @ fc1_w.T + fc1_b
    g = layer_norm(g, ln1_g, ln1_b)
    g = jax.nn.relu(g)
    z = g @ fc2_w.T + fc2_b
    z = layer_norm(z, ln2_g, ln2_b)
    return z

if __name__ == "__main__":
    import jax
    _d = setup_inputs()
    print(jax.jit(kernel)(*tuple(_d.values())))

</pallas_src>

<mosaic_0001>
#map = affine_map<(d0, d1) -> (0, 0)>
module attributes {stable_mosaic.version = 14 : i64} {
  func.func @body(%arg0: i32, %arg1: i32, %arg2: memref<16384x128xf32, #tpu.memory_space<hbm>>, %arg3: memref<4096x80xi32, #tpu.memory_space<hbm>>, %arg4: memref<327680x128xf32, #tpu.memory_space<hbm>>, %arg5: memref<128x80xi32, #tpu.memory_space<vmem>>, %arg6: memref<80x128xf32, #tpu.memory_space<vmem>>, %arg7: memref<!tpu.dma_semaphore, #tpu.memory_space<semaphore_mem>>) attributes {dimension_semantics = [#tpu.dimension_semantics<core_parallel>, #tpu.dimension_semantics<subcore_parallel>], iteration_bounds = array<i64: 2, 16>, scalar_prefetch = 0 : i64, scratch_operands = 3 : i64, tpu.core_type = #tpu.core_type<sc_vector_subcore>, window_params = [{transform_indices = #map}, {transform_indices = #map}, {transform_indices = #map}]} {
    %mul3A = arith.constant 2 : i32
    %mul3A_0 = arith.muli %arg1, %mul3A : i32
    %add3A = arith.addi %mul3A_0, %arg0 : i32
    %mul3A_1 = arith.constant 512 : i32
    %mul3A_2 = arith.muli %add3A, %mul3A_1 : i32
    %mul3A_3 = arith.constant 128 : i32
    %mul3A_4 = arith.muli %add3A, %mul3A_3 : i32
    "tpu.region"() ({
      %run_scoped3A = tpu.sem_alloc : memref<!tpu.dma_semaphore, #tpu.memory_space<semaphore_mem>>
      %dma_start3A = arith.constant 0 : i32
      %dma_start3A_10 = tpu.memref_slice %arg3[%mul3A_4, %dma_start3A] : memref<4096x80xi32, #tpu.memory_space<hbm>> -> memref<128x80xi32, #tpu.memory_space<hbm>>
      %dma_start3A_11 = arith.constant 0 : i32
      %dma_start3A_12 = tpu.memref_slice %arg3[%mul3A_4, %dma_start3A_11] : memref<4096x80xi32, #tpu.memory_space<hbm>> -> memref<128x80xi32, #tpu.memory_space<hbm>>
      tpu.enqueue_dma source(%dma_start3A_12 : memref<128x80xi32, #tpu.memory_space<hbm>>) target(%arg5 : memref<128x80xi32, #tpu.memory_space<vmem>>) target_semaphore(%run_scoped3A : memref<!tpu.dma_semaphore, #tpu.memory_space<semaphore_mem>>)
      %dma_wait3A = arith.constant 0 : i32
      %dma_wait3A_13 = tpu.memref_slice %arg3[%mul3A_4, %dma_wait3A] : memref<4096x80xi32, #tpu.memory_space<hbm>> -> memref<128x80xi32, #tpu.memory_space<hbm>>
      %dma_wait3A_14 = arith.constant 0 : i32
      %dma_wait3A_15 = tpu.memref_slice %arg3[%mul3A_4, %dma_wait3A_14] : memref<4096x80xi32, #tpu.memory_space<hbm>> -> memref<128x80xi32, #tpu.memory_space<hbm>>
      tpu.wait_dma2 semaphore(%run_scoped3A : memref<!tpu.dma_semaphore, #tpu.memory_space<semaphore_mem>>) src(%dma_wait3A_15 : memref<128x80xi32, #tpu.memory_space<hbm>>) dst(%arg5 : memref<128x80xi32, #tpu.memory_space<vmem>>)
      tpu.yield
    }) : () -> ()
    %scan3A = arith.constant 0 : i32
    %scan3A_5 = arith.constant 0 : i32
    %scan3A_6 = arith.constant 128 : i32
    %scan3A_7 = arith.addi %scan3A_5, %scan3A_6 : i32
    %scan3A_8 = arith.constant 1 : i32
    scf.for %scan3A_10 = %scan3A_5 to %scan3A_7 step %scan3A_8  : i32 {
      %dma_start3A = arith.constant 0 : i32
      %dma_start3A_11 = tpu.memref_slice %arg5[%scan3A_10, %dma_start3A] : memref<128x80xi32, #tpu.memory_space<vmem>> -> memref<1x80xi32, #tpu.memory_space<vmem>>
      %dma_start3A_12 = tpu.memref_squeeze %dma_start3A_11 : memref<1x80xi32, #tpu.memory_space<vmem>> -> memref<80xi32, #tpu.memory_space<vmem>>
      %dma_start3A_13 = arith.constant 0 : i32
      %dma_start3A_14 = arith.constant 0 : i32
      %dma_start3A_15 = tpu.memref_slice %arg2[%dma_start3A_13, %dma_start3A_14] : memref<16384x128xf32, #tpu.memory_space<hbm>> -> memref<16384x128xf32, #tpu.memory_space<hbm>>
      tpu.enqueue_indirect_dma source(%dma_start3A_15 : memref<16384x128xf32, #tpu.memory_space<hbm>>) target(%arg6 : memref<80x128xf32, #tpu.memory_space<vmem>>) offsets(%dma_start3A_12 : memref<80xi32, #tpu.memory_space<vmem>>) semaphore(%arg7 : memref<!tpu.dma_semaphore, #tpu.memory_space<semaphore_mem>>)
      %dma_wait3A = arith.constant 0 : i32
      %dma_wait3A_16 = tpu.memref_slice %arg5[%scan3A_10, %dma_wait3A] : memref<128x80xi32, #tpu.memory_space<vmem>> -> memref<1x80xi32, #tpu.memory_space<vmem>>
      %dma_wait3A_17 = tpu.memref_squeeze %dma_wait3A_16 : memref<1x80xi32, #tpu.memory_space<vmem>> -> memref<80xi32, #tpu.memory_space<vmem>>
      %dma_wait3A_18 = arith.constant 0 : i32
      %dma_wait3A_19 = arith.constant 0 : i32
      %dma_wait3A_20 = tpu.memref_slice %arg2[%dma_wait3A_18, %dma_wait3A_19] : memref<16384x128xf32, #tpu.memory_space<hbm>> -> memref<16384x128xf32, #tpu.memory_space<hbm>>
      tpu.wait_indirect_dma semaphore(%arg7 : memref<!tpu.dma_semaphore, #tpu.memory_space<semaphore_mem>>) src(%dma_wait3A_20 : memref<16384x128xf32, #tpu.memory_space<hbm>>) dst(%arg6 : memref<80x128xf32, #tpu.memory_space<vmem>>)
      %mul3A_21 = arith.constant 4 : i32
      %mul3A_22 = arith.muli %scan3A_10, %mul3A_21 : i32
      %add3A_23 = arith.addi %mul3A_2, %mul3A_22 : i32
      %mul3A_24 = arith.constant 20 : i32
      %mul3A_25 = arith.muli %add3A_23, %mul3A_24 : i32
      "tpu.region"() ({
        %run_scoped3A = tpu.sem_alloc : memref<!tpu.dma_semaphore, #tpu.memory_space<semaphore_mem>>
        %dma_start3A_26 = arith.constant 0 : i32
        %dma_start3A_27 = tpu.memref_slice %arg4[%mul3A_25, %dma_start3A_26] : memref<327680x128xf32, #tpu.memory_space<hbm>> -> memref<80x128xf32, #tpu.memory_space<hbm>>
        %dma_start3A_28 = arith.constant 0 : i32
        %dma_start3A_29 = tpu.memref_slice %arg4[%mul3A_25, %dma_start3A_28] : memref<327680x128xf32, #tpu.memory_space<hbm>> -> memref<80x128xf32, #tpu.memory_space<hbm>>
        tpu.enqueue_dma source(%arg6 : memref<80x128xf32, #tpu.memory_space<vmem>>) target(%dma_start3A_29 : memref<80x128xf32, #tpu.memory_space<hbm>>) target_semaphore(%run_scoped3A : memref<!tpu.dma_semaphore, #tpu.memory_space<semaphore_mem>>)
        %dma_wait3A_30 = arith.constant 0 : i32
        %dma_wait3A_31 = tpu.memref_slice %arg4[%mul3A_25, %dma_wait3A_30] : memref<327680x128xf32, #tpu.memory_space<hbm>> -> memref<80x128xf32, #tpu.memory_space<hbm>>
        %dma_wait3A_32 = arith.constant 0 : i32
        %dma_wait3A_33 = tpu.memref_slice %arg4[%mul3A_25, %dma_wait3A_32] : memref<327680x128xf32, #tpu.memory_space<hbm>> -> memref<80x128xf32, #tpu.memory_space<hbm>>
        tpu.wait_dma2 semaphore(%run_scoped3A : memref<!tpu.dma_semaphore, #tpu.memory_space<semaphore_mem>>) src(%arg6 : memref<80x128xf32, #tpu.memory_space<vmem>>) dst(%dma_wait3A_33 : memref<80x128xf32, #tpu.memory_space<hbm>>)
        tpu.yield
      }) : () -> ()
    }
    %scan3A_9 = arith.constant 128 : i32
    return
  }
}

#map = affine_map<(d0, d1) -> (0, 0)>
module attributes {stable_mosaic.version = 14 : i64} {
  func.func @body(%arg0: i32, %arg1: i32, %arg2: memref<16384x128xf32, #tpu.memory_space<hbm>>, %arg3: memref<4096x80xi32, #tpu.memory_space<hbm>>, %arg4: memref<327680x128xf32, #tpu.memory_space<hbm>>, %arg5: memref<128x80xi32, #tpu.memory_space<vmem>>, %arg6: memref<80x128xf32, #tpu.memory_space<vmem>>, %arg7: memref<!tpu.dma_semaphore, #tpu.memory_space<semaphore_mem>>) attributes {dimension_semantics = [#tpu.dimension_semantics<core_parallel>, #tpu.dimension_semantics<subcore_parallel>], iteration_bounds = array<i64: 2, 16>, scalar_prefetch = 0 : i64, scratch_operands = 3 : i64, tpu.core_type = #tpu.core_type<sc_vector_subcore>, window_params = [{transform_indices = #map}, {transform_indices = #map}, {transform_indices = #map}]} {
    %mul3A = arith.constant 2 : i32
    %mul3A_0 = arith.muli %arg1, %mul3A : i32
    %add3A = arith.addi %mul3A_0, %arg0 : i32
    %mul3A_1 = arith.constant 512 : i32
    %mul3A_2 = arith.muli %add3A, %mul3A_1 : i32
    %mul3A_3 = arith.constant 128 : i32
    %mul3A_4 = arith.muli %add3A, %mul3A_3 : i32
    "tpu.region"() ({
      %run_scoped3A = tpu.sem_alloc : memref<!tpu.dma_semaphore, #tpu.memory_space<semaphore_mem>>
      %dma_start3A = arith.constant 0 : i32
      %dma_start3A_10 = tpu.memref_slice %arg3[%mul3A_4, %dma_start3A] : memref<4096x80xi32, #tpu.memory_space<hbm>> -> memref<128x80xi32, #tpu.memory_space<hbm>>
      %dma_start3A_11 = arith.constant 0 : i32
      %dma_start3A_12 = tpu.memref_slice %arg3[%mul3A_4, %dma_start3A_11] : memref<4096x80xi32, #tpu.memory_space<hbm>> -> memref<128x80xi32, #tpu.memory_space<hbm>>
      tpu.enqueue_dma source(%dma_start3A_12 : memref<128x80xi32, #tpu.memory_space<hbm>>) target(%arg5 : memref<128x80xi32, #tpu.memory_space<vmem>>) target_semaphore(%run_scoped3A : memref<!tpu.dma_semaphore, #tpu.memory_space<semaphore_mem>>)
      %dma_wait3A = arith.constant 0 : i32
      %dma_wait3A_13 = tpu.memref_slice %arg3[%mul3A_4, %dma_wait3A] : memref<4096x80xi32, #tpu.memory_space<hbm>> -> memref<128x80xi32, #tpu.memory_space<hbm>>
      %dma_wait3A_14 = arith.constant 0 : i32
      %dma_wait3A_15 = tpu.memref_slice %arg3[%mul3A_4, %dma_wait3A_14] : memref<4096x80xi32, #tpu.memory_space<hbm>> -> memref<128x80xi32, #tpu.memory_space<hbm>>
      tpu.wait_dma2 semaphore(%run_scoped3A : memref<!tpu.dma_semaphore, #tpu.memory_space<semaphore_mem>>) src(%dma_wait3A_15 : memref<128x80xi32, #tpu.memory_space<hbm>>) dst(%arg5 : memref<128x80xi32, #tpu.memory_space<vmem>>)
      tpu.yield
    }) : () -> ()
    %scan3A = arith.constant 0 : i32
    %scan3A_5 = arith.constant 0 : i32
    %scan3A_6 = arith.constant 128 : i32
    %scan3A_7 = arith.addi %scan3A_5, %scan3A_6 : i32
    %scan3A_8 = arith.constant 1 : i32
    scf.for %scan3A_10 = %scan3A_5 to %scan3A_7 step %scan3A_8  : i32 {
      %dma_start3A = arith.constant 0 : i32
      %dma_start3A_11 = tpu.memref_slice %arg5[%scan3A_10, %dma_start3A] : memref<128x80xi32, #tpu.memory_space<vmem>> -> memref<1x80xi32, #tpu.memory_space<vmem>>
      %dma_start3A_12 = tpu.memref_squeeze %dma_start3A_11 : memref<1x80xi32, #tpu.memory_space<vmem>> -> memref<80xi32, #tpu.memory_space<vmem>>
      %dma_start3A_13 = arith.constant 0 : i32
      %dma_start3A_14 = arith.constant 0 : i32
      %dma_start3A_15 = tpu.memref_slice %arg2[%dma_start3A_13, %dma_start3A_14] : memref<16384x128xf32, #tpu.memory_space<hbm>> -> memref<16384x128xf32, #tpu.memory_space<hbm>>
      tpu.enqueue_indirect_dma source(%dma_start3A_15 : memref<16384x128xf32, #tpu.memory_space<hbm>>) target(%arg6 : memref<80x128xf32, #tpu.memory_space<vmem>>) offsets(%dma_start3A_12 : memref<80xi32, #tpu.memory_space<vmem>>) semaphore(%arg7 : memref<!tpu.dma_semaphore, #tpu.memory_space<semaphore_mem>>)
      %dma_wait3A = arith.constant 0 : i32
      %dma_wait3A_16 = tpu.memref_slice %arg5[%scan3A_10, %dma_wait3A] : memref<128x80xi32, #tpu.memory_space<vmem>> -> memref<1x80xi32, #tpu.memory_space<vmem>>
      %dma_wait3A_17 = tpu.memref_squeeze %dma_wait3A_16 : memref<1x80xi32, #tpu.memory_space<vmem>> -> memref<80xi32, #tpu.memory_space<vmem>>
      %dma_wait3A_18 = arith.constant 0 : i32
      %dma_wait3A_19 = arith.constant 0 : i32
      %dma_wait3A_20 = tpu.memref_slice %arg2[%dma_wait3A_18, %dma_wait3A_19] : memref<16384x128xf32, #tpu.memory_space<hbm>> -> memref<16384x128xf32, #tpu.memory_space<hbm>>
      tpu.wait_indirect_dma semaphore(%arg7 : memref<!tpu.dma_semaphore, #tpu.memory_space<semaphore_mem>>) src(%dma_wait3A_20 : memref<16384x128xf32, #tpu.memory_space<hbm>>) dst(%arg6 : memref<80x128xf32, #tpu.memory_space<vmem>>)
      %mul3A_21 = arith.constant 4 : i32
      %mul3A_22 = arith.muli %scan3A_10, %mul3A_21 : i32
      %add3A_23 = arith.addi %mul3A_2, %mul3A_22 : i32
      %mul3A_24 = arith.constant 20 : i32
      %mul3A_25 = arith.muli %add3A_23, %mul3A_24 : i32
      "tpu.region"() ({
        %run_scoped3A = tpu.sem_alloc : memref<!tpu.dma_semaphore, #tpu.memory_space<semaphore_mem>>
        %dma_start3A_26 = arith.constant 0 : i32
        %dma_start3A_27 = tpu.memref_slice %arg4[%mul3A_25, %dma_start3A_26] : memref<327680x128xf32, #tpu.memory_space<hbm>> -> memref<80x128xf32, #tpu.memory_space<hbm>>
        %dma_start3A_28 = arith.constant 0 : i32
        %dma_start3A_29 = tpu.memref_slice %arg4[%mul3A_25, %dma_start3A_28] : memref<327680x128xf32, #tpu.memory_space<hbm>> -> memref<80x128xf32, #tpu.memory_space<hbm>>
        tpu.enqueue_dma source(%arg6 : memref<80x128xf32, #tpu.memory_space<vmem>>) target(%dma_start3A_29 : memref<80x128xf32, #tpu.memory_space<hbm>>) target_semaphore(%run_scoped3A : memref<!tpu.dma_semaphore, #tpu.memory_space<semaphore_mem>>)
        %dma_wait3A_30 = arith.constant 0 : i32
        %dma_wait3A_31 = tpu.memref_slice %arg4[%mul3A_25, %dma_wait3A_30] : memref<327680x128xf32, #tpu.memory_space<hbm>> -> memref<80x128xf32, #tpu.memory_space<hbm>>
        %dma_wait3A_32 = arith.constant 0 : i32
        %dma_wait3A_33 = tpu.memref_slice %arg4[%mul3A_25, %dma_wait3A_32] : memref<327680x128xf32, #tpu.memory_space<hbm>> -> memref<80x128xf32, #tpu.memory_space<hbm>>
        tpu.wait_dma2 semaphore(%run_scoped3A : memref<!tpu.dma_semaphore, #tpu.memory_space<semaphore_mem>>) src(%arg6 : memref<80x128xf32, #tpu.memory_space<vmem>>) dst(%dma_wait3A_33 : memref<80x128xf32, #tpu.memory_space<hbm>>)
        tpu.yield
      }) : () -> ()
    }
    %scan3A_9 = arith.constant 128 : i32
    return
  }
}

#map = affine_map<(d0, d1) -> (0, 0)>
module attributes {stable_mosaic.version = 14 : i64} {
  func.func @body(%arg0: i32, %arg1: i32, %arg2: memref<16384x128xf32, #tpu.memory_space<hbm>>, %arg3: memref<4096x80xi32, #tpu.memory_space<hbm>>, %arg4: memref<327680x128xf32, #tpu.memory_space<hbm>>, %arg5: memref<128x80xi32, #tpu.memory_space<vmem>>, %arg6: memref<80x128xf32, #tpu.memory_space<vmem>>, %arg7: memref<!tpu.dma_semaphore, #tpu.memory_space<semaphore_mem>>) attributes {dimension_semantics = [#tpu.dimension_semantics<core_parallel>, #tpu.dimension_semantics<subcore_parallel>], iteration_bounds = array<i64: 2, 16>, scalar_prefetch = 0 : i64, scratch_operands = 3 : i64, tpu.core_type = #tpu.core_type<sc_vector_subcore>, window_params = [{transform_indices = #map}, {transform_indices = #map}, {transform_indices = #map}]} {
    %mul3A = arith.constant 2 : i32
    %mul3A_0 = arith.muli %arg1, %mul3A : i32
    %add3A = arith.addi %mul3A_0, %arg0 : i32
    %mul3A_1 = arith.constant 512 : i32
    %mul3A_2 = arith.muli %add3A, %mul3A_1 : i32
    %mul3A_3 = arith.constant 128 : i32
    %mul3A_4 = arith.muli %add3A, %mul3A_3 : i32
    "tpu.region"() ({
      %run_scoped3A = tpu.sem_alloc : memref<!tpu.dma_semaphore, #tpu.memory_space<semaphore_mem>>
      %dma_start3A = arith.constant 0 : i32
      %dma_start3A_10 = tpu.memref_slice %arg3[%mul3A_4, %dma_start3A] : memref<4096x80xi32, #tpu.memory_space<hbm>> -> memref<128x80xi32, #tpu.memory_space<hbm>>
      %dma_start3A_11 = arith.constant 0 : i32
      %dma_start3A_12 = tpu.memref_slice %arg3[%mul3A_4, %dma_start3A_11] : memref<4096x80xi32, #tpu.memory_space<hbm>> -> memref<128x80xi32, #tpu.memory_space<hbm>>
      tpu.enqueue_dma source(%dma_start3A_12 : memref<128x80xi32, #tpu.memory_space<hbm>>) target(%arg5 : memref<128x80xi32, #tpu.memory_space<vmem>>) target_semaphore(%run_scoped3A : memref<!tpu.dma_semaphore, #tpu.memory_space<semaphore_mem>>)
      %dma_wait3A = arith.constant 0 : i32
      %dma_wait3A_13 = tpu.memref_slice %arg3[%mul3A_4, %dma_wait3A] : memref<4096x80xi32, #tpu.memory_space<hbm>> -> memref<128x80xi32, #tpu.memory_space<hbm>>
      %dma_wait3A_14 = arith.constant 0 : i32
      %dma_wait3A_15 = tpu.memref_slice %arg3[%mul3A_4, %dma_wait3A_14] : memref<4096x80xi32, #tpu.memory_space<hbm>> -> memref<128x80xi32, #tpu.memory_space<hbm>>
      tpu.wait_dma2 semaphore(%run_scoped3A : memref<!tpu.dma_semaphore, #tpu.memory_space<semaphore_mem>>) src(%dma_wait3A_15 : memref<128x80xi32, #tpu.memory_space<hbm>>) dst(%arg5 : memref<128x80xi32, #tpu.memory_space<vmem>>)
      tpu.yield
    }) : () -> ()
    %scan3A = arith.constant 0 : i32
    %scan3A_5 = arith.constant 0 : i32
    %scan3A_6 = arith.constant 128 : i32
    %scan3A_7 = arith.addi %scan3A_5, %scan3A_6 : i32
    %scan3A_8 = arith.constant 1 : i32
    scf.for %scan3A_10 = %scan3A_5 to %scan3A_7 step %scan3A_8  : i32 {
      %dma_start3A = arith.constant 0 : i32
      %dma_start3A_11 = tpu.memref_slice %arg5[%scan3A_10, %dma_start3A] : memref<128x80xi32, #tpu.memory_space<vmem>> -> memref<1x80xi32, #tpu.memory_space<vmem>>
      %dma_start3A_12 = tpu.memref_squeeze %dma_start3A_11 : memref<1x80xi32, #tpu.memory_space<vmem>> -> memref<80xi32, #tpu.memory_space<vmem>>
      %dma_start3A_13 = arith.constant 0 : i32
      %dma_start3A_14 = arith.constant 0 : i32
      %dma_start3A_15 = tpu.memref_slice %arg2[%dma_start3A_13, %dma_start3A_14] : memref<16384x128xf32, #tpu.memory_space<hbm>> -> memref<16384x128xf32, #tpu.memory_space<hbm>>
      tpu.enqueue_indirect_dma source(%dma_start3A_15 : memref<16384x128xf32, #tpu.memory_space<hbm>>) target(%arg6 : memref<80x128xf32, #tpu.memory_space<vmem>>) offsets(%dma_start3A_12 : memref<80xi32, #tpu.memory_space<vmem>>) semaphore(%arg7 : memref<!tpu.dma_semaphore, #tpu.memory_space<semaphore_mem>>)
      %dma_wait3A = arith.constant 0 : i32
      %dma_wait3A_16 = tpu.memref_slice %arg5[%scan3A_10, %dma_wait3A] : memref<128x80xi32, #tpu.memory_space<vmem>> -> memref<1x80xi32, #tpu.memory_space<vmem>>
      %dma_wait3A_17 = tpu.memref_squeeze %dma_wait3A_16 : memref<1x80xi32, #tpu.memory_space<vmem>> -> memref<80xi32, #tpu.memory_space<vmem>>
      %dma_wait3A_18 = arith.constant 0 : i32
      %dma_wait3A_19 = arith.constant 0 : i32
      %dma_wait3A_20 = tpu.memref_slice %arg2[%dma_wait3A_18, %dma_wait3A_19] : memref<16384x128xf32, #tpu.memory_space<hbm>> -> memref<16384x128xf32, #tpu.memory_space<hbm>>
      tpu.wait_indirect_dma semaphore(%arg7 : memref<!tpu.dma_semaphore, #tpu.memory_space<semaphore_mem>>) src(%dma_wait3A_20 : memref<16384x128xf32, #tpu.memory_space<hbm>>) dst(%arg6 : memref<80x128xf32, #tpu.memory_space<vmem>>)
      %mul3A_21 = arith.constant 4 : i32
      %mul3A_22 = arith.muli %scan3A_10, %mul3A_21 : i32
      %add3A_23 = arith.addi %mul3A_2, %mul3A_22 : i32
      %mul3A_24 = arith.constant 20 : i32
      %mul3A_25 = arith.muli %add3A_23, %mul3A_24 : i32
      "tpu.region"() ({
        %run_scoped3A = tpu.sem_alloc : memref<!tpu.dma_semaphore, #tpu.memory_space<semaphore_mem>>
        %dma_start3A_26 = arith.constant 0 : i32
        %dma_start3A_27 = tpu.memref_slice %arg4[%mul3A_25, %dma_start3A_26] : memref<327680x128xf32, #tpu.memory_space<hbm>> -> memref<80x128xf32, #tpu.memory_space<hbm>>
        %dma_start3A_28 = arith.constant 0 : i32
        %dma_start3A_29 = tpu.memref_slice %arg4[%mul3A_25, %dma_start3A_28] : memref<327680x128xf32, #tpu.memory_space<hbm>> -> memref<80x128xf32, #tpu.memory_space<hbm>>
        tpu.enqueue_dma source(%arg6 : memref<80x128xf32, #tpu.memory_space<vmem>>) target(%dma_start3A_29 : memref<80x128xf32, #tpu.memory_space<hbm>>) target_semaphore(%run_scoped3A : memref<!tpu.dma_semaphore, #tpu.memory_space<semaphore_mem>>)
        %dma_wait3A_30 = arith.constant 0 : i32
        %dma_wait3A_31 = tpu.memref_slice %arg4[%mul3A_25, %dma_wait3A_30] : memref<327680x128xf32, #tpu.memory_space<hbm>> -> memref<80x128xf32, #tpu.memory_space<hbm>>
        %dma_wait3A_32 = arith.constant 0 : i32
        %dma_wait3A_33 = tpu.memref_slice %arg4[%mul3A_25, %dma_wait3A_32] : memref<327680x128xf32, #tpu.memory_space<hbm>> -> memref<80x128xf32, #tpu.memory_space<hbm>>
        tpu.wait_dma2 semaphore(%run_scoped3A : memref<!tpu.dma_semaphore, #tpu.memory_space<semaphore_mem>>) src(%arg6 : memref<80x128xf32, #tpu.memory_space<vmem>>) dst(%dma_wait3A_33 : memref<80x128xf32, #tpu.memory_space<hbm>>)
        tpu.yield
      }) : () -> ()
    }
    %scan3A_9 = arith.constant 128 : i32
    return
  }
}

#map = affine_map<(d0, d1) -> (0, 0)>
module attributes {stable_mosaic.version = 14 : i64} {
  func.func @body(%arg0: i32, %arg1: i32, %arg2: memref<16384x128xf32, #tpu.memory_space<hbm>>, %arg3: memref<4096x80xi32, #tpu.memory_space<hbm>>, %arg4: memref<327680x128xf32, #tpu.memory_space<hbm>>, %arg5: memref<128x80xi32, #tpu.memory_space<vmem>>, %arg6: memref<80x128xf32, #tpu.memory_space<vmem>>, %arg7: memref<!tpu.dma_semaphore, #tpu.memory_space<semaphore_mem>>) attributes {dimension_semantics = [#tpu.dimension_semantics<core_parallel>, #tpu.dimension_semantics<subcore_parallel>], iteration_bounds = array<i64: 2, 16>, scalar_prefetch = 0 : i64, scratch_operands = 3 : i64, tpu.core_type = #tpu.core_type<sc_vector_subcore>, window_params = [{transform_indices = #map}, {transform_indices = #map}, {transform_indices = #map}]} {
    %mul3A = arith.constant 2 : i32
    %mul3A_0 = arith.muli %arg1, %mul3A : i32
    %add3A = arith.addi %mul3A_0, %arg0 : i32
    %mul3A_1 = arith.constant 512 : i32
    %mul3A_2 = arith.muli %add3A, %mul3A_1 : i32
    %mul3A_3 = arith.constant 128 : i32
    %mul3A_4 = arith.muli %add3A, %mul3A_3 : i32
    "tpu.region"() ({
      %run_scoped3A = tpu.sem_alloc : memref<!tpu.dma_semaphore, #tpu.memory_space<semaphore_mem>>
      %dma_start3A = arith.constant 0 : i32
      %dma_start3A_10 = tpu.memref_slice %arg3[%mul3A_4, %dma_start3A] : memref<4096x80xi32, #tpu.memory_space<hbm>> -> memref<128x80xi32, #tpu.memory_space<hbm>>
      %dma_start3A_11 = arith.constant 0 : i32
      %dma_start3A_12 = tpu.memref_slice %arg3[%mul3A_4, %dma_start3A_11] : memref<4096x80xi32, #tpu.memory_space<hbm>> -> memref<128x80xi32, #tpu.memory_space<hbm>>
      tpu.enqueue_dma source(%dma_start3A_12 : memref<128x80xi32, #tpu.memory_space<hbm>>) target(%arg5 : memref<128x80xi32, #tpu.memory_space<vmem>>) target_semaphore(%run_scoped3A : memref<!tpu.dma_semaphore, #tpu.memory_space<semaphore_mem>>)
      %dma_wait3A = arith.constant 0 : i32
      %dma_wait3A_13 = tpu.memref_slice %arg3[%mul3A_4, %dma_wait3A] : memref<4096x80xi32, #tpu.memory_space<hbm>> -> memref<128x80xi32, #tpu.memory_space<hbm>>
      %dma_wait3A_14 = arith.constant 0 : i32
      %dma_wait3A_15 = tpu.memref_slice %arg3[%mul3A_4, %dma_wait3A_14] : memref<4096x80xi32, #tpu.memory_space<hbm>> -> memref<128x80xi32, #tpu.memory_space<hbm>>
      tpu.wait_dma2 semaphore(%run_scoped3A : memref<!tpu.dma_semaphore, #tpu.memory_space<semaphore_mem>>) src(%dma_wait3A_15 : memref<128x80xi32, #tpu.memory_space<hbm>>) dst(%arg5 : memref<128x80xi32, #tpu.memory_space<vmem>>)
      tpu.yield
    }) : () -> ()
    %scan3A = arith.constant 0 : i32
    %scan3A_5 = arith.constant 0 : i32
    %scan3A_6 = arith.constant 128 : i32
    %scan3A_7 = arith.addi %scan3A_5, %scan3A_6 : i32
    %scan3A_8 = arith.constant 1 : i32
    scf.for %scan3A_10 = %scan3A_5 to %scan3A_7 step %scan3A_8  : i32 {
      %dma_start3A = arith.constant 0 : i32
      %dma_start3A_11 = tpu.memref_slice %arg5[%scan3A_10, %dma_start3A] : memref<128x80xi32, #tpu.memory_space<vmem>> -> memref<1x80xi32, #tpu.memory_space<vmem>>
      %dma_start3A_12 = tpu.memref_squeeze %dma_start3A_11 : memref<1x80xi32, #tpu.memory_space<vmem>> -> memref<80xi32, #tpu.memory_space<vmem>>
      %dma_start3A_13 = arith.constant 0 : i32
      %dma_start3A_14 = arith.constant 0 : i32
      %dma_start3A_15 = tpu.memref_slice %arg2[%dma_start3A_13, %dma_start3A_14] : memref<16384x128xf32, #tpu.memory_space<hbm>> -> memref<16384x128xf32, #tpu.memory_space<hbm>>
      tpu.enqueue_indirect_dma source(%dma_start3A_15 : memref<16384x128xf32, #tpu.memory_space<hbm>>) target(%arg6 : memref<80x128xf32, #tpu.memory_space<vmem>>) offsets(%dma_start3A_12 : memref<80xi32, #tpu.memory_space<vmem>>) semaphore(%arg7 : memref<!tpu.dma_semaphore, #tpu.memory_space<semaphore_mem>>)
      %dma_wait3A = arith.constant 0 : i32
      %dma_wait3A_16 = tpu.memref_slice %arg5[%scan3A_10, %dma_wait3A] : memref<128x80xi32, #tpu.memory_space<vmem>> -> memref<1x80xi32, #tpu.memory_space<vmem>>
      %dma_wait3A_17 = tpu.memref_squeeze %dma_wait3A_16 : memref<1x80xi32, #tpu.memory_space<vmem>> -> memref<80xi32, #tpu.memory_space<vmem>>
      %dma_wait3A_18 = arith.constant 0 : i32
      %dma_wait3A_19 = arith.constant 0 : i32
      %dma_wait3A_20 = tpu.memref_slice %arg2[%dma_wait3A_18, %dma_wait3A_19] : memref<16384x128xf32, #tpu.memory_space<hbm>> -> memref<16384x128xf32, #tpu.memory_space<hbm>>
      tpu.wait_indirect_dma semaphore(%arg7 : memref<!tpu.dma_semaphore, #tpu.memory_space<semaphore_mem>>) src(%dma_wait3A_20 : memref<16384x128xf32, #tpu.memory_space<hbm>>) dst(%arg6 : memref<80x128xf32, #tpu.memory_space<vmem>>)
      %mul3A_21 = arith.constant 4 : i32
      %mul3A_22 = arith.muli %scan3A_10, %mul3A_21 : i32
      %add3A_23 = arith.addi %mul3A_2, %mul3A_22 : i32
      %mul3A_24 = arith.constant 20 : i32
      %mul3A_25 = arith.muli %add3A_23, %mul3A_24 : i32
      "tpu.region"() ({
        %run_scoped3A = tpu.sem_alloc : memref<!tpu.dma_semaphore, #tpu.memory_space<semaphore_mem>>
        %dma_start3A_26 = arith.constant 0 : i32
        %dma_start3A_27 = tpu.memref_slice %arg4[%mul3A_25, %dma_start3A_26] : memref<327680x128xf32, #tpu.memory_space<hbm>> -> memref<80x128xf32, #tpu.memory_space<hbm>>
        %dma_start3A_28 = arith.constant 0 : i32
        %dma_start3A_29 = tpu.memref_slice %arg4[%mul3A_25, %dma_start3A_28] : memref<327680x128xf32, #tpu.memory_space<hbm>> -> memref<80x128xf32, #tpu.memory_space<hbm>>
        tpu.enqueue_dma source(%arg6 : memref<80x128xf32, #tpu.memory_space<vmem>>) target(%dma_start3A_29 : memref<80x128xf32, #tpu.memory_space<hbm>>) target_semaphore(%run_scoped3A : memref<!tpu.dma_semaphore, #tpu.memory_space<semaphore_mem>>)
        %dma_wait3A_30 = arith.constant 0 : i32
        %dma_wait3A_31 = tpu.memref_slice %arg4[%mul3A_25, %dma_wait3A_30] : memref<327680x128xf32, #tpu.memory_space<hbm>> -> memref<80x128xf32, #tpu.memory_space<hbm>>
        %dma_wait3A_32 = arith.constant 0 : i32
        %dma_wait3A_33 = tpu.memref_slice %arg4[%mul3A_25, %dma_wait3A_32] : memref<327680x128xf32, #tpu.memory_space<hbm>> -> memref<80x128xf32, #tpu.memory_space<hbm>>
        tpu.wait_dma2 semaphore(%run_scoped3A : memref<!tpu.dma_semaphore, #tpu.memory_space<semaphore_mem>>) src(%arg6 : memref<80x128xf32, #tpu.memory_space<vmem>>) dst(%dma_wait3A_33 : memref<80x128xf32, #tpu.memory_space<hbm>>)
        tpu.yield
      }) : () -> ()
    }
    %scan3A_9 = arith.constant 128 : i32
    return
  }
}

module attributes {stable_mosaic.version = 14 : i64} {
  func.func @_knn_body(%arg0: i32, %arg1: i32, %arg2: memref<1x256x3xf32, #tpu.memory_space<vmem>>, %arg3: memref<1x2048x3xf32, #tpu.memory_space<vmem>>, %arg4: memref<1x256x20xi32, #tpu.memory_space<vmem>>, %arg5: memref<256x2048xf32, #tpu.memory_space<vmem>>) attributes {dimension_semantics = [#tpu.dimension_semantics<arbitrary>, #tpu.dimension_semantics<arbitrary>], iteration_bounds = array<i64: 8, 8>, scalar_prefetch = 0 : i64, scratch_operands = 1 : i64, tpu.core_type = #tpu.core_type<tc>, window_params = [{transform_indices = @transform_0, window_bounds = array<i64: 1, 256, 3>}, {transform_indices = @transform_1, window_bounds = array<i64: 1, 2048, 3>}, {transform_indices = @transform_2, window_bounds = array<i64: 1, 256, 20>}]} {
    %get3A = arith.constant 0 : index
    %get3A_0 = arith.constant 0 : index
    %get3A_1 = arith.constant 0 : index
    %get3A_2 = vector.load %arg2[%get3A, %get3A_0, %get3A_1] : memref<1x256x3xf32, #tpu.memory_space<vmem>>, vector<1x256x3xf32>
    %get3A_3 = vector.shape_cast %get3A_2 : vector<1x256x3xf32> to vector<256x3xf32>
    %get3A_4 = arith.constant 0 : index
    %get3A_5 = arith.constant 0 : index
    %get3A_6 = arith.constant 0 : index
    %get3A_7 = vector.load %arg3[%get3A_4, %get3A_5, %get3A_6] : memref<1x2048x3xf32, #tpu.memory_space<vmem>>, vector<1x2048x3xf32>
    %get3A_8 = vector.shape_cast %get3A_7 : vector<1x2048x3xf32> to vector<2048x3xf32>
    %mul3A = arith.mulf %get3A_3, %get3A_3 : vector<256x3xf32>
    %reduce_sum3A = arith.constant dense<0.000000e+00> : vector<256xf32>
    %reduce_sum3A_9 = vector.multi_reduction <add>, %mul3A, %reduce_sum3A [1] : vector<256x3xf32> to vector<256xf32>
    %broadcast_in_dim3A = vector.shape_cast %reduce_sum3A_9 : vector<256xf32> to vector<256x1xf32>
    %mul3A_10 = arith.mulf %get3A_8, %get3A_8 : vector<2048x3xf32>
    %reduce_sum3A_11 = arith.constant dense<0.000000e+00> : vector<2048xf32>
    %reduce_sum3A_12 = vector.multi_reduction <add>, %mul3A_10, %reduce_sum3A_11 [1] : vector<2048x3xf32> to vector<2048xf32>
    %broadcast_in_dim3A_13 = vector.shape_cast %reduce_sum3A_12 : vector<2048xf32> to vector<1x2048xf32>
    %convert_element_type3A = arith.truncf %get3A_3 : vector<256x3xf32> to vector<256x3xbf16>
    %convert_element_type3A_14 = arith.truncf %get3A_8 : vector<2048x3xf32> to vector<2048x3xbf16>
    %dot_general3A = arith.constant dense<0.000000e+00> : vector<256x2048xf32>
    %dot_general3A_15 = tpu.matmul %convert_element_type3A, %convert_element_type3A_14, %dot_general3A {dimension_numbers = #tpu.dot_dimension_numbers<[1], [1], [0], [0], [0, 0, 1, 0], [], []>, transpose_lhs_hint = false} : vector<256x3xbf16>, vector<2048x3xbf16>, vector<256x2048xf32> -> vector<256x2048xf32>
    %add3A = vector.broadcast %broadcast_in_dim3A : vector<256x1xf32> to vector<256x2048xf32>
    %add3A_16 = vector.broadcast %broadcast_in_dim3A_13 : vector<1x2048xf32> to vector<256x2048xf32>
    %add3A_17 = arith.addf %add3A, %add3A_16 : vector<256x2048xf32>
    %mul3A_18 = arith.constant 2.000000e+00 : f32
    %mul3A_19 = vector.broadcast %mul3A_18 : f32 to vector<256x2048xf32>
    %mul3A_20 = arith.mulf %mul3A_19, %dot_general3A_15 : vector<256x2048xf32>
    %sub3A = arith.subf %add3A_17, %mul3A_20 : vector<256x2048xf32>
    %swap3A = arith.constant 0 : index
    %swap3A_21 = arith.constant 0 : index
    %swap3A_22 = vector.load %arg5[%swap3A, %swap3A_21] : memref<256x2048xf32, #tpu.memory_space<vmem>>, vector<256x2048xf32>
    tpu.vector_store %arg5[%swap3A, %swap3A_21], %sub3A {strides = array<i32>} : memref<256x2048xf32, #tpu.memory_space<vmem>>, vector<256x2048xf32>,
    %iota3A = tpu.iota {dimensions = array<i32: 1>} : vector<256x2048xi32>
    %iota3A_23 = tpu.iota {dimensions = array<i32: 1>} : vector<256x32xi32>
    %broadcast_in_dim3A_24 = arith.constant 0 : i32
    %broadcast_in_dim3A_25 = vector.broadcast %broadcast_in_dim3A_24 : i32 to vector<256x32xi32>
    %scan3A = arith.constant 0 : i32
    %scan3A_26 = arith.constant 20 : i32
    %scan3A_27 = arith.addi %scan3A, %scan3A_26 : i32
    %scan3A_28 = arith.constant 1 : i32
    %scan3A_29 = scf.for %scan3A_41 = %scan3A to %scan3A_27 step %scan3A_28 iter_args(%scan3A_42 = %broadcast_in_dim3A_25) -> (vector<256x32xi32>)  : i32 {
      %get3A_43 = arith.constant 0 : index
      %get3A_44 = arith.constant 0 : index
      %get3A_45 = vector.load %arg5[%get3A_43, %get3A_44] : memref<256x2048xf32, #tpu.memory_space<vmem>>, vector<256x2048xf32>
      %reduce_min3A = arith.constant dense<0x7F800000> : vector<256xf32>
      %reduce_min3A_46 = vector.multi_reduction <minimumf>, %get3A_45, %reduce_min3A [1] : vector<256x2048xf32> to vector<256xf32>
      %broadcast_in_dim3A_47 = vector.shape_cast %reduce_min3A_46 : vector<256xf32> to vector<256x1xf32>
      %eq3A = vector.broadcast %broadcast_in_dim3A_47 : vector<256x1xf32> to vector<256x2048xf32>
      %eq3A_48 = arith.cmpf oeq, %get3A_45, %eq3A : vector<256x2048xf32>
      %jit3A = arith.constant 2048 : i32
      %broadcast_in_dim3A_49 = vector.broadcast %jit3A : i32 to vector<256x2048xi32>
      %select_n3A = arith.select %eq3A_48, %iota3A, %broadcast_in_dim3A_49 : vector<256x2048xi1>, vector<256x2048xi32>
      %reduce_min3A_50 = arith.constant dense<2147483647> : vector<256xi32>
      %reduce_min3A_51 = vector.multi_reduction <minsi>, %select_n3A, %reduce_min3A_50 [1] : vector<256x2048xi32> to vector<256xi32>
      %broadcast_in_dim3A_52 = vector.shape_cast %reduce_min3A_51 : vector<256xi32> to vector<256x1xi32>
      %eq3A_53 = vector.broadcast %broadcast_in_dim3A_52 : vector<256x1xi32> to vector<256x2048xi32>
      %eq3A_54 = arith.cmpi eq, %iota3A, %eq3A_53 : vector<256x2048xi32>
      %jit3A_55 = arith.constant 0x7F800000 : f32
      %broadcast_in_dim3A_56 = vector.broadcast %jit3A_55 : f32 to vector<256x2048xf32>
      %select_n3A_57 = arith.select %eq3A_54, %broadcast_in_dim3A_56, %get3A_45 : vector<256x2048xi1>, vector<256x2048xf32>
      %swap3A_58 = arith.constant 0 : index
      %swap3A_59 = arith.constant 0 : index
      %swap3A_60 = vector.load %arg5[%swap3A_58, %swap3A_59] : memref<256x2048xf32, #tpu.memory_space<vmem>>, vector<256x2048xf32>
      tpu.vector_store %arg5[%swap3A_58, %swap3A_59], %select_n3A_57 {strides = array<i32>} : memref<256x2048xf32, #tpu.memory_space<vmem>>, vector<256x2048xf32>,
      %eq3A_61 = vector.broadcast %scan3A_41 : i32 to vector<256x32xi32>
      %eq3A_62 = arith.cmpi eq, %iota3A_23, %eq3A_61 : vector<256x32xi32>
      %broadcast_in_dim3A_63 = vector.shape_cast %reduce_min3A_51 : vector<256xi32> to vector<256x1xi32>
      %broadcast_in_dim3A_64 = vector.shape_cast %broadcast_in_dim3A_63 : vector<256x1xi32> to vector<256x1xi32>
      %broadcast_in_dim3A_65 = vector.broadcast %broadcast_in_dim3A_64 : vector<256x1xi32> to vector<256x32xi32>
      %select_n3A_66 = arith.select %eq3A_62, %broadcast_in_dim3A_65, %scan3A_42 : vector<256x32xi1>, vector<256x32xi32>
      scf.yield %select_n3A_66 : vector<256x32xi32>
    }
    %scan3A_30 = arith.constant 20 : i32
    %slice3A = vector.extract_strided_slice %scan3A_29 {offsets = [0, 0], sizes = [256, 20], strides = [1, 1]} : vector<256x32xi32> to vector<256x20xi32>
    %mul3A_31 = arith.constant 2048 : i32
    %mul3A_32 = arith.muli %arg0, %mul3A_31 : i32
    %add3A_33 = vector.broadcast %mul3A_32 : i32 to vector<256x20xi32>
    %add3A_34 = arith.addi %slice3A, %add3A_33 : vector<256x20xi32>
    %swap3A_35 = arith.constant 0 : index
    %swap3A_36 = arith.constant 0 : index
    %swap3A_37 = arith.constant 0 : index
    %swap3A_38 = vector.load %arg4[%swap3A_35, %swap3A_36, %swap3A_37] : memref<1x256x20xi32, #tpu.memory_space<vmem>>, vector<1x256x20xi32>
    %swap3A_39 = vector.shape_cast %swap3A_38 : vector<1x256x20xi32> to vector<256x20xi32>
    %swap3A_40 = vector.shape_cast %add3A_34 : vector<256x20xi32> to vector<1x256x20xi32>
    tpu.vector_store %arg4[%swap3A_35, %swap3A_36, %swap3A_37], %swap3A_40 {strides = array<i32>} : memref<1x256x20xi32, #tpu.memory_space<vmem>>, vector<1x256x20xi32>,
    return
  }
  func.func @transform_0(%arg0: i32, %arg1: i32) -> (i32, i32, i32) {
    %c0_i32 = arith.constant 0 : i32
    %c0_i32_0 = arith.constant 0 : i32
    return %arg0, %arg1, %c0_i32 : i32, i32, i32
  }
  func.func @transform_1(%arg0: i32, %arg1: i32) -> (i32, i32, i32) {
    %c0_i32 = arith.constant 0 : i32
    %c0_i32_0 = arith.constant 0 : i32
    %c0_i32_1 = arith.constant 0 : i32
    return %arg0, %c0_i32, %c0_i32_0 : i32, i32, i32
  }
  func.func @transform_2(%arg0: i32, %arg1: i32) -> (i32, i32, i32) {
    %c0_i32 = arith.constant 0 : i32
    %c0_i32_0 = arith.constant 0 : i32
    return %arg0, %arg1, %c0_i32 : i32, i32, i32
  }
}

module attributes {stable_mosaic.version = 14 : i64} {
  func.func @_conv_body(%arg0: i32, %arg1: memref<2560x128xf32, #tpu.memory_space<vmem>>, %arg2: memref<128x128xf32, #tpu.memory_space<vmem>>, %arg3: memref<256x64xbf16, #tpu.memory_space<vmem>>, %arg4: memref<128x64xf32, #tpu.memory_space<vmem>>, %arg5: memref<8x64xf32, #tpu.memory_space<vmem>>) attributes {dimension_semantics = [#tpu.dimension_semantics<arbitrary>], iteration_bounds = array<i64: 128>, scalar_prefetch = 0 : i64, scratch_operands = 0 : i64, tpu.core_type = #tpu.core_type<tc>, window_params = [{transform_indices = @transform_0, window_bounds = array<i64: 2560, 128>}, {transform_indices = @transform_1, window_bounds = array<i64: 128, 128>}, {pipeline_mode = #tpu.pipeline_mode<synchronous>, transform_indices = @transform_2, window_bounds = array<i64: 256, 64>}, {transform_indices = @transform_3, window_bounds = array<i64: 128, 64>}, {pipeline_mode = #tpu.pipeline_mode<synchronous>, transform_indices = @transform_4, window_bounds = array<i64: 8, 64>}]} {
    %get3A = arith.constant 0 : index
    %get3A_0 = arith.constant 0 : index
    %get3A_1 = vector.load %arg2[%get3A, %get3A_0] : memref<128x128xf32, #tpu.memory_space<vmem>>, vector<128x128xf32>
    %get3A_2 = arith.constant 0 : index
    %get3A_3 = arith.constant 0 : index
    %get3A_4 = vector.load %arg1[%get3A_2, %get3A_3] : memref<2560x128xf32, #tpu.memory_space<vmem>>, vector<2560x128xf32>
    %broadcast_in_dim3A = vector.shape_cast %get3A_1 : vector<128x128xf32> to vector<128x1x128xf32>
    %broadcast_in_dim3A_5 = vector.shape_cast %broadcast_in_dim3A : vector<128x1x128xf32> to vector<128x1x128xf32>
    %broadcast_in_dim3A_6 = vector.broadcast %broadcast_in_dim3A_5 : vector<128x1x128xf32> to vector<128x20x128xf32>
    %reshape3A = vector.shape_cast %broadcast_in_dim3A_6 : vector<128x20x128xf32> to vector<2560x128xf32>
    %sub3A = arith.subf %get3A_4, %reshape3A : vector<2560x128xf32>
    %convert_element_type3A = arith.truncf %sub3A : vector<2560x128xf32> to vector<2560x128xbf16>
    %convert_element_type3A_7 = arith.truncf %reshape3A : vector<2560x128xf32> to vector<2560x128xbf16>
    %concatenate3A = tpu.concatenate %convert_element_type3A, %convert_element_type3A_7 in 1 : vector<2560x128xbf16>, vector<2560x128xbf16> -> vector<2560x256xbf16>
    %get3A_8 = arith.constant 0 : index
    %get3A_9 = arith.constant 0 : index
    %get3A_10 = vector.load %arg3[%get3A_8, %get3A_9] : memref<256x64xbf16, #tpu.memory_space<vmem>>, vector<256x64xbf16>
    %dot_general3A = arith.constant dense<0.000000e+00> : vector<2560x64xf32>
    %dot_general3A_11 = tpu.matmul %concatenate3A, %get3A_10, %dot_general3A {dimension_numbers = #tpu.dot_dimension_numbers<[1], [0], [0], [1], [0, 0, 1, 1], [], []>, transpose_lhs_hint = false} : vector<2560x256xbf16>, vector<256x64xbf16>, vector<2560x64xf32> -> vector<2560x64xf32>
    %reshape3A_12 = vector.shape_cast %dot_general3A_11 : vector<2560x64xf32> to vector<128x20x64xf32>
    %slice3A = vector.extract_strided_slice %reshape3A_12 {offsets = [0, 0, 0], sizes = [128, 1, 64], strides = [1, 1, 1]} : vector<128x20x64xf32> to vector<128x1x64xf32>
    %squeeze3A = vector.shape_cast %slice3A : vector<128x1x64xf32> to vector<128x64xf32>
    %slice3A_13 = vector.extract_strided_slice %reshape3A_12 {offsets = [0, 1, 0], sizes = [128, 1, 64], strides = [1, 1, 1]} : vector<128x20x64xf32> to vector<128x1x64xf32>
    %squeeze3A_14 = vector.shape_cast %slice3A_13 : vector<128x1x64xf32> to vector<128x64xf32>
    %max3A = arith.maximumf %squeeze3A, %squeeze3A_14 : vector<128x64xf32>
    %slice3A_15 = vector.extract_strided_slice %reshape3A_12 {offsets = [0, 2, 0], sizes = [128, 1, 64], strides = [1, 1, 1]} : vector<128x20x64xf32> to vector<128x1x64xf32>
    %squeeze3A_16 = vector.shape_cast %slice3A_15 : vector<128x1x64xf32> to vector<128x64xf32>
    %max3A_17 = arith.maximumf %max3A, %squeeze3A_16 : vector<128x64xf32>
    %slice3A_18 = vector.extract_strided_slice %reshape3A_12 {offsets = [0, 3, 0], sizes = [128, 1, 64], strides = [1, 1, 1]} : vector<128x20x64xf32> to vector<128x1x64xf32>
    %squeeze3A_19 = vector.shape_cast %slice3A_18 : vector<128x1x64xf32> to vector<128x64xf32>
    %max3A_20 = arith.maximumf %max3A_17, %squeeze3A_19 : vector<128x64xf32>
    %slice3A_21 = vector.extract_strided_slice %reshape3A_12 {offsets = [0, 4, 0], sizes = [128, 1, 64], strides = [1, 1, 1]} : vector<128x20x64xf32> to vector<128x1x64xf32>
    %squeeze3A_22 = vector.shape_cast %slice3A_21 : vector<128x1x64xf32> to vector<128x64xf32>
    %max3A_23 = arith.maximumf %max3A_20, %squeeze3A_22 : vector<128x64xf32>
    %slice3A_24 = vector.extract_strided_slice %reshape3A_12 {offsets = [0, 5, 0], sizes = [128, 1, 64], strides = [1, 1, 1]} : vector<128x20x64xf32> to vector<128x1x64xf32>
    %squeeze3A_25 = vector.shape_cast %slice3A_24 : vector<128x1x64xf32> to vector<128x64xf32>
    %max3A_26 = arith.maximumf %max3A_23, %squeeze3A_25 : vector<128x64xf32>
    %slice3A_27 = vector.extract_strided_slice %reshape3A_12 {offsets = [0, 6, 0], sizes = [128, 1, 64], strides = [1, 1, 1]} : vector<128x20x64xf32> to vector<128x1x64xf32>
    %squeeze3A_28 = vector.shape_cast %slice3A_27 : vector<128x1x64xf32> to vector<128x64xf32>
    %max3A_29 = arith.maximumf %max3A_26, %squeeze3A_28 : vector<128x64xf32>
    %slice3A_30 = vector.extract_strided_slice %reshape3A_12 {offsets = [0, 7, 0], sizes = [128, 1, 64], strides = [1, 1, 1]} : vector<128x20x64xf32> to vector<128x1x64xf32>
    %squeeze3A_31 = vector.shape_cast %slice3A_30 : vector<128x1x64xf32> to vector<128x64xf32>
    %max3A_32 = arith.maximumf %max3A_29, %squeeze3A_31 : vector<128x64xf32>
    %slice3A_33 = vector.extract_strided_slice %reshape3A_12 {offsets = [0, 8, 0], sizes = [128, 1, 64], strides = [1, 1, 1]} : vector<128x20x64xf32> to vector<128x1x64xf32>
    %squeeze3A_34 = vector.shape_cast %slice3A_33 : vector<128x1x64xf32> to vector<128x64xf32>
    %max3A_35 = arith.maximumf %max3A_32, %squeeze3A_34 : vector<128x64xf32>
    %slice3A_36 = vector.extract_strided_slice %reshape3A_12 {offsets = [0, 9, 0], sizes = [128, 1, 64], strides = [1, 1, 1]} : vector<128x20x64xf32> to vector<128x1x64xf32>
    %squeeze3A_37 = vector.shape_cast %slice3A_36 : vector<128x1x64xf32> to vector<128x64xf32>
    %max3A_38 = arith.maximumf %max3A_35, %squeeze3A_37 : vector<128x64xf32>
    %slice3A_39 = vector.extract_strided_slice %reshape3A_12 {offsets = [0, 10, 0], sizes = [128, 1, 64], strides = [1, 1, 1]} : vector<128x20x64xf32> to vector<128x1x64xf32>
    %squeeze3A_40 = vector.shape_cast %slice3A_39 : vector<128x1x64xf32> to vector<128x64xf32>
    %max3A_41 = arith.maximumf %max3A_38, %squeeze3A_40 : vector<128x64xf32>
    %slice3A_42 = vector.extract_strided_slice %reshape3A_12 {offsets = [0, 11, 0], sizes = [128, 1, 64], strides = [1, 1, 1]} : vector<128x20x64xf32> to vector<128x1x64xf32>
    %squeeze3A_43 = vector.shape_cast %slice3A_42 : vector<128x1x64xf32> to vector<128x64xf32>
    %max3A_44 = arith.maximumf %max3A_41, %squeeze3A_43 : vector<128x64xf32>
    %slice3A_45 = vector.extract_strided_slice %reshape3A_12 {offsets = [0, 12, 0], sizes = [128, 1, 64], strides = [1, 1, 1]} : vector<128x20x64xf32> to vector<128x1x64xf32>
    %squeeze3A_46 = vector.shape_cast %slice3A_45 : vector<128x1x64xf32> to vector<128x64xf32>
    %max3A_47 = arith.maximumf %max3A_44, %squeeze3A_46 : vector<128x64xf32>
    %slice3A_48 = vector.extract_strided_slice %reshape3A_12 {offsets = [0, 13, 0], sizes = [128, 1, 64], strides = [1, 1, 1]} : vector<128x20x64xf32> to vector<128x1x64xf32>
    %squeeze3A_49 = vector.shape_cast %slice3A_48 : vector<128x1x64xf32> to vector<128x64xf32>
    %max3A_50 = arith.maximumf %max3A_47, %squeeze3A_49 : vector<128x64xf32>
    %slice3A_51 = vector.extract_strided_slice %reshape3A_12 {offsets = [0, 14, 0], sizes = [128, 1, 64], strides = [1, 1, 1]} : vector<128x20x64xf32> to vector<128x1x64xf32>
    %squeeze3A_52 = vector.shape_cast %slice3A_51 : vector<128x1x64xf32> to vector<128x64xf32>
    %max3A_53 = arith.maximumf %max3A_50, %squeeze3A_52 : vector<128x64xf32>
    %slice3A_54 = vector.extract_strided_slice %reshape3A_12 {offsets = [0, 15, 0], sizes = [128, 1, 64], strides = [1, 1, 1]} : vector<128x20x64xf32> to vector<128x1x64xf32>
    %squeeze3A_55 = vector.shape_cast %slice3A_54 : vector<128x1x64xf32> to vector<128x64xf32>
    %max3A_56 = arith.maximumf %max3A_53, %squeeze3A_55 : vector<128x64xf32>
    %slice3A_57 = vector.extract_strided_slice %reshape3A_12 {offsets = [0, 16, 0], sizes = [128, 1, 64], strides = [1, 1, 1]} : vector<128x20x64xf32> to vector<128x1x64xf32>
    %squeeze3A_58 = vector.shape_cast %slice3A_57 : vector<128x1x64xf32> to vector<128x64xf32>
    %max3A_59 = arith.maximumf %max3A_56, %squeeze3A_58 : vector<128x64xf32>
    %slice3A_60 = vector.extract_strided_slice %reshape3A_12 {offsets = [0, 17, 0], sizes = [128, 1, 64], strides = [1, 1, 1]} : vector<128x20x64xf32> to vector<128x1x64xf32>
    %squeeze3A_61 = vector.shape_cast %slice3A_60 : vector<128x1x64xf32> to vector<128x64xf32>
    %max3A_62 = arith.maximumf %max3A_59, %squeeze3A_61 : vector<128x64xf32>
    %slice3A_63 = vector.extract_strided_slice %reshape3A_12 {offsets = [0, 18, 0], sizes = [128, 1, 64], strides = [1, 1, 1]} : vector<128x20x64xf32> to vector<128x1x64xf32>
    %squeeze3A_64 = vector.shape_cast %slice3A_63 : vector<128x1x64xf32> to vector<128x64xf32>
    %max3A_65 = arith.maximumf %max3A_62, %squeeze3A_64 : vector<128x64xf32>
    %slice3A_66 = vector.extract_strided_slice %reshape3A_12 {offsets = [0, 19, 0], sizes = [128, 1, 64], strides = [1, 1, 1]} : vector<128x20x64xf32> to vector<128x1x64xf32>
    %squeeze3A_67 = vector.shape_cast %slice3A_66 : vector<128x1x64xf32> to vector<128x64xf32>
    %max3A_68 = arith.maximumf %max3A_65, %squeeze3A_67 : vector<128x64xf32>
    %swap3A = arith.constant 0 : index
    %swap3A_69 = arith.constant 0 : index
    %swap3A_70 = vector.load %arg4[%swap3A, %swap3A_69] : memref<128x64xf32, #tpu.memory_space<vmem>>, vector<128x64xf32>
    tpu.vector_store %arg4[%swap3A, %swap3A_69], %max3A_68 {strides = array<i32>} : memref<128x64xf32, #tpu.memory_space<vmem>>, vector<128x64xf32>,
    %reduce_sum3A = arith.constant dense<0.000000e+00> : vector<64xf32>
    %reduce_sum3A_71 = vector.multi_reduction <add>, %dot_general3A_11, %reduce_sum3A [0] : vector<2560x64xf32> to vector<64xf32>
    %mul3A = arith.mulf %dot_general3A_11, %dot_general3A_11 : vector<2560x64xf32>
    %reduce_sum3A_72 = arith.constant dense<0.000000e+00> : vector<64xf32>
    %reduce_sum3A_73 = vector.multi_reduction <add>, %mul3A, %reduce_sum3A_72 [0] : vector<2560x64xf32> to vector<64xf32>
    %broadcast_in_dim3A_74 = arith.constant 0.000000e+00 : f32
    %broadcast_in_dim3A_75 = vector.broadcast %broadcast_in_dim3A_74 : f32 to vector<64xf32>
    %eq3A = arith.constant 0 : i32
    %eq3A_76 = arith.cmpi eq, %arg0, %eq3A : i32
    %convert_element_type3A_77 = arith.extui %eq3A_76 : i1 to i32
    %cond3A = arith.constant 0 : i32
    %cond3A_78 = arith.cmpi ne, %convert_element_type3A_77, %cond3A : i32
    scf.if %cond3A_78 {
      %broadcast_in_dim3A_93 = arith.constant 0.000000e+00 : f32
      %broadcast_in_dim3A_94 = vector.broadcast %broadcast_in_dim3A_93 : f32 to vector<8x64xf32>
      %swap3A_95 = arith.constant 0 : index
      %swap3A_96 = arith.constant 0 : index
      %swap3A_97 = vector.load %arg5[%swap3A_95, %swap3A_96] : memref<8x64xf32, #tpu.memory_space<vmem>>, vector<8x64xf32>
      tpu.vector_store %arg5[%swap3A_95, %swap3A_96], %broadcast_in_dim3A_94 {strides = array<i32>} : memref<8x64xf32, #tpu.memory_space<vmem>>, vector<8x64xf32>,
    } else {
    }
    %get3A_79 = arith.constant 0 : index
    %get3A_80 = arith.constant 0 : index
    %get3A_81 = vector.load %arg5[%get3A_79, %get3A_80] : memref<8x64xf32, #tpu.memory_space<vmem>>, vector<8x64xf32>
    %stack3A = vector.shape_cast %reduce_sum3A_71 : vector<64xf32> to vector<1x64xf32>
    %stack3A_82 = vector.shape_cast %reduce_sum3A_73 : vector<64xf32> to vector<1x64xf32>
    %stack3A_83 = vector.shape_cast %broadcast_in_dim3A_75 : vector<64xf32> to vector<1x64xf32>
    %stack3A_84 = vector.shape_cast %broadcast_in_dim3A_75 : vector<64xf32> to vector<1x64xf32>
    %stack3A_85 = vector.shape_cast %broadcast_in_dim3A_75 : vector<64xf32> to vector<1x64xf32>
    %stack3A_86 = vector.shape_cast %broadcast_in_dim3A_75 : vector<64xf32> to vector<1x64xf32>
    %stack3A_87 = vector.shape_cast %broadcast_in_dim3A_75 : vector<64xf32> to vector<1x64xf32>
    %stack3A_88 = vector.shape_cast %broadcast_in_dim3A_75 : vector<64xf32> to vector<1x64xf32>
    %stack3A_89 = tpu.concatenate %stack3A, %stack3A_82, %stack3A_83, %stack3A_84, %stack3A_85, %stack3A_86, %stack3A_87, %stack3A_88 in 0 : vector<1x64xf32>, vector<1x64xf32>, vector<1x64xf32>, vector<1x64xf32>, vector<1x64xf32>, vector<1x64xf32>, vector<1x64xf32>, vector<1x64xf32> -> vector<8x64xf32>
    %add3A = arith.addf %get3A_81, %stack3A_89 : vector<8x64xf32>
    %swap3A_90 = arith.constant 0 : index
    %swap3A_91 = arith.constant 0 : index
    %swap3A_92 = vector.load %arg5[%swap3A_90, %swap3A_91] : memref<8x64xf32, #tpu.memory_space<vmem>>, vector<8x64xf32>
    tpu.vector_store %arg5[%swap3A_90, %swap3A_91], %add3A {strides = array<i32>} : memref<8x64xf32, #tpu.memory_space<vmem>>, vector<8x64xf32>,
    return
  }
  func.func @transform_0(%arg0: i32) -> (i32, i32) {
    %c0_i32 = arith.constant 0 : i32
    %c0_i32_0 = arith.constant 0 : i32
    return %arg0, %c0_i32 : i32, i32
  }
  func.func @transform_1(%arg0: i32) -> (i32, i32) {
    %c0_i32 = arith.constant 0 : i32
    %c0_i32_0 = arith.constant 0 : i32
    return %arg0, %c0_i32 : i32, i32
  }
  func.func @transform_2(%arg0: i32) -> (i32, i32) {
    %c0_i32 = arith.constant 0 : i32
    %c0_i32_0 = arith.constant 0 : i32
    %c0_i32_1 = arith.constant 0 : i32
    return %c0_i32, %c0_i32_0 : i32, i32
  }
  func.func @transform_3(%arg0: i32) -> (i32, i32) {
    %c0_i32 = arith.constant 0 : i32
    %c0_i32_0 = arith.constant 0 : i32
    return %arg0, %c0_i32 : i32, i32
  }
  func.func @transform_4(%arg0: i32) -> (i32, i32) {
    %c0_i32 = arith.constant 0 : i32
    %c0_i32_0 = arith.constant 0 : i32
    %c0_i32_1 = arith.constant 0 : i32
    return %c0_i32, %c0_i32_0 : i32, i32
  }
}

module attributes {stable_mosaic.version = 14 : i64} {
  func.func @_apply_body(%arg0: i32, %arg1: i32, %arg2: memref<1x1024x64xf32, #tpu.memory_space<vmem>>, %arg3: memref<1x64xf32, #tpu.memory_space<vmem>>, %arg4: memref<1x64xf32, #tpu.memory_space<vmem>>, %arg5: memref<1x64xf32, #tpu.memory_space<vmem>>, %arg6: memref<1x64xf32, #tpu.memory_space<vmem>>, %arg7: memref<1x1024x128xf32, #tpu.memory_space<vmem>>, %arg8: memref<1x1x64xf32, #tpu.memory_space<vmem>>, %arg9: memref<1x1x64xf32, #tpu.memory_space<vmem>>) attributes {dimension_semantics = [#tpu.dimension_semantics<arbitrary>, #tpu.dimension_semantics<arbitrary>], iteration_bounds = array<i64: 8, 2>, scalar_prefetch = 0 : i64, scratch_operands = 0 : i64, tpu.core_type = #tpu.core_type<tc>, window_params = [{transform_indices = @transform_0, window_bounds = array<i64: 1, 1024, 64>}, {pipeline_mode = #tpu.pipeline_mode<synchronous>, transform_indices = @transform_1, window_bounds = array<i64: 1, 64>}, {pipeline_mode = #tpu.pipeline_mode<synchronous>, transform_indices = @transform_2, window_bounds = array<i64: 1, 64>}, {pipeline_mode = #tpu.pipeline_mode<synchronous>, transform_indices = @transform_3, window_bounds = array<i64: 1, 64>}, {pipeline_mode = #tpu.pipeline_mode<synchronous>, transform_indices = @transform_4, window_bounds = array<i64: 1, 64>}, {transform_indices = @transform_5, window_bounds = array<i64: 1, 1024, 128>}, {transform_indices = @transform_6, window_bounds = array<i64: 1, 1, 64>}, {transform_indices = @transform_7, window_bounds = array<i64: 1, 1, 64>}]} {
    %get3A = arith.constant 0 : index
    %get3A_0 = arith.constant 0 : index
    %get3A_1 = arith.constant 0 : index
    %get3A_2 = vector.load %arg2[%get3A, %get3A_0, %get3A_1] : memref<1x1024x64xf32, #tpu.memory_space<vmem>>, vector<1x1024x64xf32>
    %get3A_3 = vector.shape_cast %get3A_2 : vector<1x1024x64xf32> to vector<1024x64xf32>
    %get3A_4 = arith.constant 0 : index
    %get3A_5 = arith.constant 0 : index
    %get3A_6 = vector.load %arg3[%get3A_4, %get3A_5] : memref<1x64xf32, #tpu.memory_space<vmem>>, vector<1x64xf32>
    %sub3A = vector.broadcast %get3A_6 : vector<1x64xf32> to vector<1024x64xf32>
    %sub3A_7 = arith.subf %get3A_3, %sub3A : vector<1024x64xf32>
    %get3A_8 = arith.constant 0 : index
    %get3A_9 = arith.constant 0 : index
    %get3A_10 = vector.load %arg4[%get3A_8, %get3A_9] : memref<1x64xf32, #tpu.memory_space<vmem>>, vector<1x64xf32>
    %add3A = arith.constant 9.99999974E-6 : f32
    %add3A_11 = vector.broadcast %add3A : f32 to vector<1x64xf32>
    %add3A_12 = arith.addf %get3A_10, %add3A_11 : vector<1x64xf32>
    %sqrt3A = math.sqrt %add3A_12 : vector<1x64xf32>
    %div3A = vector.broadcast %sqrt3A : vector<1x64xf32> to vector<1024x64xf32>
    %div3A_13 = arith.divf %sub3A_7, %div3A : vector<1024x64xf32>
    %get3A_14 = arith.constant 0 : index
    %get3A_15 = arith.constant 0 : index
    %get3A_16 = vector.load %arg5[%get3A_14, %get3A_15] : memref<1x64xf32, #tpu.memory_space<vmem>>, vector<1x64xf32>
    %mul3A = vector.broadcast %get3A_16 : vector<1x64xf32> to vector<1024x64xf32>
    %mul3A_17 = arith.mulf %div3A_13, %mul3A : vector<1024x64xf32>
    %get3A_18 = arith.constant 0 : index
    %get3A_19 = arith.constant 0 : index
    %get3A_20 = vector.load %arg6[%get3A_18, %get3A_19] : memref<1x64xf32, #tpu.memory_space<vmem>>, vector<1x64xf32>
    %add3A_21 = vector.broadcast %get3A_20 : vector<1x64xf32> to vector<1024x64xf32>
    %add3A_22 = arith.addf %mul3A_17, %add3A_21 : vector<1024x64xf32>
    %max3A = arith.constant 0.000000e+00 : f32
    %max3A_23 = vector.broadcast %max3A : f32 to vector<1024x64xf32>
    %max3A_24 = arith.maximumf %add3A_22, %max3A_23 : vector<1024x64xf32>
    %broadcast_in_dim3A = arith.constant 0.000000e+00 : f32
    %broadcast_in_dim3A_25 = vector.broadcast %broadcast_in_dim3A : f32 to vector<1024x64xf32>
    %concatenate3A = tpu.concatenate %max3A_24, %broadcast_in_dim3A_25 in 1 : vector<1024x64xf32>, vector<1024x64xf32> -> vector<1024x128xf32>
    %swap3A = arith.constant 0 : index
    %swap3A_26 = arith.constant 0 : index
    %swap3A_27 = arith.constant 0 : index
    %swap3A_28 = vector.load %arg7[%swap3A, %swap3A_26, %swap3A_27] : memref<1x1024x128xf32, #tpu.memory_space<vmem>>, vector<1x1024x128xf32>
    %swap3A_29 = vector.shape_cast %swap3A_28 : vector<1x1024x128xf32> to vector<1024x128xf32>
    %swap3A_30 = vector.shape_cast %concatenate3A : vector<1024x128xf32> to vector<1x1024x128xf32>
    tpu.vector_store %arg7[%swap3A, %swap3A_26, %swap3A_27], %swap3A_30 {strides = array<i32>} : memref<1x1024x128xf32, #tpu.memory_space<vmem>>, vector<1x1024x128xf32>,
    %reduce_max3A = arith.constant dense<0xFF800000> : vector<64xf32>
    %reduce_max3A_31 = vector.multi_reduction <maximumf>, %max3A_24, %reduce_max3A [0] : vector<1024x64xf32> to vector<64xf32>
    %broadcast_in_dim3A_32 = vector.shape_cast %reduce_max3A_31 : vector<64xf32> to vector<1x64xf32>
    %reduce_sum3A = arith.constant dense<0.000000e+00> : vector<64xf32>
    %reduce_sum3A_33 = vector.multi_reduction <add>, %max3A_24, %reduce_sum3A [0] : vector<1024x64xf32> to vector<64xf32>
    %broadcast_in_dim3A_34 = vector.shape_cast %reduce_sum3A_33 : vector<64xf32> to vector<1x64xf32>
    %eq3A = arith.constant 0 : i32
    %eq3A_35 = arith.cmpi eq, %arg1, %eq3A : i32
    %convert_element_type3A = arith.extui %eq3A_35 : i1 to i32
    %cond3A = arith.constant 0 : i32
    %cond3A_36 = arith.cmpi ne, %convert_element_type3A, %cond3A : i32
    scf.if %cond3A_36 {
      %swap3A_41 = arith.constant 0 : index
      %swap3A_42 = arith.constant 0 : index
      %swap3A_43 = arith.constant 0 : index
      %swap3A_44 = vector.load %arg8[%swap3A_41, %swap3A_42, %swap3A_43] : memref<1x1x64xf32, #tpu.memory_space<vmem>>, vector<1x1x64xf32>
      %swap3A_45 = vector.shape_cast %swap3A_44 : vector<1x1x64xf32> to vector<1x64xf32>
      %swap3A_46 = vector.shape_cast %broadcast_in_dim3A_32 : vector<1x64xf32> to vector<1x1x64xf32>
      tpu.vector_store %arg8[%swap3A_41, %swap3A_42, %swap3A_43], %swap3A_46 {strides = array<i32>} : memref<1x1x64xf32, #tpu.memory_space<vmem>>, vector<1x1x64xf32>,
      %swap3A_47 = arith.constant 0 : index
      %swap3A_48 = arith.constant 0 : index
      %swap3A_49 = arith.constant 0 : index
      %swap3A_50 = vector.load %arg9[%swap3A_47, %swap3A_48, %swap3A_49] : memref<1x1x64xf32, #tpu.memory_space<vmem>>, vector<1x1x64xf32>
      %swap3A_51 = vector.shape_cast %swap3A_50 : vector<1x1x64xf32> to vector<1x64xf32>
      %swap3A_52 = vector.shape_cast %broadcast_in_dim3A_34 : vector<1x64xf32> to vector<1x1x64xf32>
      tpu.vector_store %arg9[%swap3A_47, %swap3A_48, %swap3A_49], %swap3A_52 {strides = array<i32>} : memref<1x1x64xf32, #tpu.memory_space<vmem>>, vector<1x1x64xf32>,
    } else {
    }
    %gt3A = arith.constant 0 : i32
    %gt3A_37 = arith.cmpi sgt, %arg1, %gt3A : i32
    %convert_element_type3A_38 = arith.extui %gt3A_37 : i1 to i32
    %cond3A_39 = arith.constant 0 : i32
    %cond3A_40 = arith.cmpi ne, %convert_element_type3A_38, %cond3A_39 : i32
    scf.if %cond3A_40 {
      %get3A_41 = arith.constant 0 : index
      %get3A_42 = arith.constant 0 : index
      %get3A_43 = arith.constant 0 : index
      %get3A_44 = vector.load %arg8[%get3A_41, %get3A_42, %get3A_43] : memref<1x1x64xf32, #tpu.memory_space<vmem>>, vector<1x1x64xf32>
      %get3A_45 = vector.shape_cast %get3A_44 : vector<1x1x64xf32> to vector<1x64xf32>
      %max3A_46 = arith.maximumf %get3A_45, %broadcast_in_dim3A_32 : vector<1x64xf32>
      %swap3A_47 = arith.constant 0 : index
      %swap3A_48 = arith.constant 0 : index
      %swap3A_49 = arith.constant 0 : index
      %swap3A_50 = vector.load %arg8[%swap3A_47, %swap3A_48, %swap3A_49] : memref<1x1x64xf32, #tpu.memory_space<vmem>>, vector<1x1x64xf32>
      %swap3A_51 = vector.shape_cast %swap3A_50 : vector<1x1x64xf32> to vector<1x64xf32>
      %swap3A_52 = vector.shape_cast %max3A_46 : vector<1x64xf32> to vector<1x1x64xf32>
      tpu.vector_store %arg8[%swap3A_47, %swap3A_48, %swap3A_49], %swap3A_52 {strides = array<i32>} : memref<1x1x64xf32, #tpu.memory_space<vmem>>, vector<1x1x64xf32>,
      %get3A_53 = arith.constant 0 : index
      %get3A_54 = arith.constant 0 : index
      %get3A_55 = arith.constant 0 : index
      %get3A_56 = vector.load %arg9[%get3A_53, %get3A_54, %get3A_55] : memref<1x1x64xf32, #tpu.memory_space<vmem>>, vector<1x1x64xf32>
      %get3A_57 = vector.shape_cast %get3A_56 : vector<1x1x64xf32> to vector<1x64xf32>
      %add3A_58 = arith.addf %get3A_57, %broadcast_in_dim3A_34 : vector<1x64xf32>
      %swap3A_59 = arith.constant 0 : index
      %swap3A_60 = arith.constant 0 : index
      %swap3A_61 = arith.constant 0 : index
      %swap3A_62 = vector.load %arg9[%swap3A_59, %swap3A_60, %swap3A_61] : memref<1x1x64xf32, #tpu.memory_space<vmem>>, vector<1x1x64xf32>
      %swap3A_63 = vector.shape_cast %swap3A_62 : vector<1x1x64xf32> to vector<1x64xf32>
      %swap3A_64 = vector.shape_cast %add3A_58 : vector<1x64xf32> to vector<1x1x64xf32>
      tpu.vector_store %arg9[%swap3A_59, %swap3A_60, %swap3A_61], %swap3A_64 {strides = array<i32>} : memref<1x1x64xf32, #tpu.memory_space<vmem>>, vector<1x1x64xf32>,
    } else {
    }
    return
  }
  func.func @transform_0(%arg0: i32, %arg1: i32) -> (i32, i32, i32) {
    %c0_i32 = arith.constant 0 : i32
    %c0_i32_0 = arith.constant 0 : i32
    return %arg0, %arg1, %c0_i32 : i32, i32, i32
  }
  func.func @transform_1(%arg0: i32, %arg1: i32) -> (i32, i32) {
    %c0_i32 = arith.constant 0 : i32
    %c0_i32_0 = arith.constant 0 : i32
    %c0_i32_1 = arith.constant 0 : i32
    return %c0_i32, %c0_i32_0 : i32, i32
  }
  func.func @transform_2(%arg0: i32, %arg1: i32) -> (i32, i32) {
    %c0_i32 = arith.constant 0 : i32
    %c0_i32_0 = arith.constant 0 : i32
    %c0_i32_1 = arith.constant 0 : i32
    return %c0_i32, %c0_i32_0 : i32, i32
  }
  func.func @transform_3(%arg0: i32, %arg1: i32) -> (i32, i32) {
    %c0_i32 = arith.constant 0 : i32
    %c0_i32_0 = arith.constant 0 : i32
    %c0_i32_1 = arith.constant 0 : i32
    return %c0_i32, %c0_i32_0 : i32, i32
  }
  func.func @transform_4(%arg0: i32, %arg1: i32) -> (i32, i32) {
    %c0_i32 = arith.constant 0 : i32
    %c0_i32_0 = arith.constant 0 : i32
    %c0_i32_1 = arith.constant 0 : i32
    return %c0_i32, %c0_i32_0 : i32, i32
  }
  func.func @transform_5(%arg0: i32, %arg1: i32) -> (i32, i32, i32) {
    %c0_i32 = arith.constant 0 : i32
    %c0_i32_0 = arith.constant 0 : i32
    return %arg0, %arg1, %c0_i32 : i32, i32, i32
  }
  func.func @transform_6(%arg0: i32, %arg1: i32) -> (i32, i32, i32) {
    %c0_i32 = arith.constant 0 : i32
    %c0_i32_0 = arith.constant 0 : i32
    %c0_i32_1 = arith.constant 0 : i32
    return %arg0, %c0_i32, %c0_i32_0 : i32, i32, i32
  }
  func.func @transform_7(%arg0: i32, %arg1: i32) -> (i32, i32, i32) {
    %c0_i32 = arith.constant 0 : i32
    %c0_i32_0 = arith.constant 0 : i32
    %c0_i32_1 = arith.constant 0 : i32
    return %arg0, %c0_i32, %c0_i32_0 : i32, i32, i32
  }
}

module attributes {stable_mosaic.version = 14 : i64} {
  func.func @_knn_body(%arg0: i32, %arg1: i32, %arg2: memref<1x256x128xf32, #tpu.memory_space<vmem>>, %arg3: memref<1x2048x128xf32, #tpu.memory_space<vmem>>, %arg4: memref<1x256x20xi32, #tpu.memory_space<vmem>>, %arg5: memref<256x2048xf32, #tpu.memory_space<vmem>>) attributes {dimension_semantics = [#tpu.dimension_semantics<arbitrary>, #tpu.dimension_semantics<arbitrary>], iteration_bounds = array<i64: 8, 8>, scalar_prefetch = 0 : i64, scratch_operands = 1 : i64, tpu.core_type = #tpu.core_type<tc>, window_params = [{transform_indices = @transform_0, window_bounds = array<i64: 1, 256, 128>}, {transform_indices = @transform_1, window_bounds = array<i64: 1, 2048, 128>}, {transform_indices = @transform_2, window_bounds = array<i64: 1, 256, 20>}]} {
    %get3A = arith.constant 0 : index
    %get3A_0 = arith.constant 0 : index
    %get3A_1 = arith.constant 0 : index
    %get3A_2 = vector.load %arg2[%get3A, %get3A_0, %get3A_1] : memref<1x256x128xf32, #tpu.memory_space<vmem>>, vector<1x256x128xf32>
    %get3A_3 = vector.shape_cast %get3A_2 : vector<1x256x128xf32> to vector<256x128xf32>
    %get3A_4 = arith.constant 0 : index
    %get3A_5 = arith.constant 0 : index
    %get3A_6 = arith.constant 0 : index
    %get3A_7 = vector.load %arg3[%get3A_4, %get3A_5, %get3A_6] : memref<1x2048x128xf32, #tpu.memory_space<vmem>>, vector<1x2048x128xf32>
    %get3A_8 = vector.shape_cast %get3A_7 : vector<1x2048x128xf32> to vector<2048x128xf32>
    %mul3A = arith.mulf %get3A_3, %get3A_3 : vector<256x128xf32>
    %reduce_sum3A = arith.constant dense<0.000000e+00> : vector<256xf32>
    %reduce_sum3A_9 = vector.multi_reduction <add>, %mul3A, %reduce_sum3A [1] : vector<256x128xf32> to vector<256xf32>
    %broadcast_in_dim3A = vector.shape_cast %reduce_sum3A_9 : vector<256xf32> to vector<256x1xf32>
    %mul3A_10 = arith.mulf %get3A_8, %get3A_8 : vector<2048x128xf32>
    %reduce_sum3A_11 = arith.constant dense<0.000000e+00> : vector<2048xf32>
    %reduce_sum3A_12 = vector.multi_reduction <add>, %mul3A_10, %reduce_sum3A_11 [1] : vector<2048x128xf32> to vector<2048xf32>
    %broadcast_in_dim3A_13 = vector.shape_cast %reduce_sum3A_12 : vector<2048xf32> to vector<1x2048xf32>
    %convert_element_type3A = arith.truncf %get3A_3 : vector<256x128xf32> to vector<256x128xbf16>
    %convert_element_type3A_14 = arith.truncf %get3A_8 : vector<2048x128xf32> to vector<2048x128xbf16>
    %dot_general3A = arith.constant dense<0.000000e+00> : vector<256x2048xf32>
    %dot_general3A_15 = tpu.matmul %convert_element_type3A, %convert_element_type3A_14, %dot_general3A {dimension_numbers = #tpu.dot_dimension_numbers<[1], [1], [0], [0], [0, 0, 1, 0], [], []>, transpose_lhs_hint = false} : vector<256x128xbf16>, vector<2048x128xbf16>, vector<256x2048xf32> -> vector<256x2048xf32>
    %add3A = vector.broadcast %broadcast_in_dim3A : vector<256x1xf32> to vector<256x2048xf32>
    %add3A_16 = vector.broadcast %broadcast_in_dim3A_13 : vector<1x2048xf32> to vector<256x2048xf32>
    %add3A_17 = arith.addf %add3A, %add3A_16 : vector<256x2048xf32>
    %mul3A_18 = arith.constant 2.000000e+00 : f32
    %mul3A_19 = vector.broadcast %mul3A_18 : f32 to vector<256x2048xf32>
    %mul3A_20 = arith.mulf %mul3A_19, %dot_general3A_15 : vector<256x2048xf32>
    %sub3A = arith.subf %add3A_17, %mul3A_20 : vector<256x2048xf32>
    %swap3A = arith.constant 0 : index
    %swap3A_21 = arith.constant 0 : index
    %swap3A_22 = vector.load %arg5[%swap3A, %swap3A_21] : memref<256x2048xf32, #tpu.memory_space<vmem>>, vector<256x2048xf32>
    tpu.vector_store %arg5[%swap3A, %swap3A_21], %sub3A {strides = array<i32>} : memref<256x2048xf32, #tpu.memory_space<vmem>>, vector<256x2048xf32>,
    %iota3A = tpu.iota {dimensions = array<i32: 1>} : vector<256x2048xi32>
    %iota3A_23 = tpu.iota {dimensions = array<i32: 1>} : vector<256x32xi32>
    %broadcast_in_dim3A_24 = arith.constant 0 : i32
    %broadcast_in_dim3A_25 = vector.broadcast %broadcast_in_dim3A_24 : i32 to vector<256x32xi32>
    %scan3A = arith.constant 0 : i32
    %scan3A_26 = arith.constant 20 : i32
    %scan3A_27 = arith.addi %scan3A, %scan3A_26 : i32
    %scan3A_28 = arith.constant 1 : i32
    %scan3A_29 = scf.for %scan3A_41 = %scan3A to %scan3A_27 step %scan3A_28 iter_args(%scan3A_42 = %broadcast_in_dim3A_25) -> (vector<256x32xi32>)  : i32 {
      %get3A_43 = arith.constant 0 : index
      %get3A_44 = arith.constant 0 : index
      %get3A_45 = vector.load %arg5[%get3A_43, %get3A_44] : memref<256x2048xf32, #tpu.memory_space<vmem>>, vector<256x2048xf32>
      %reduce_min3A = arith.constant dense<0x7F800000> : vector<256xf32>
      %reduce_min3A_46 = vector.multi_reduction <minimumf>, %get3A_45, %reduce_min3A [1] : vector<256x2048xf32> to vector<256xf32>
      %broadcast_in_dim3A_47 = vector.shape_cast %reduce_min3A_46 : vector<256xf32> to vector<256x1xf32>
      %eq3A = vector.broadcast %broadcast_in_dim3A_47 : vector<256x1xf32> to vector<256x2048xf32>
      %eq3A_48 = arith.cmpf oeq, %get3A_45, %eq3A : vector<256x2048xf32>
      %jit3A = arith.constant 2048 : i32
      %broadcast_in_dim3A_49 = vector.broadcast %jit3A : i32 to vector<256x2048xi32>
      %select_n3A = arith.select %eq3A_48, %iota3A, %broadcast_in_dim3A_49 : vector<256x2048xi1>, vector<256x2048xi32>
      %reduce_min3A_50 = arith.constant dense<2147483647> : vector<256xi32>
      %reduce_min3A_51 = vector.multi_reduction <minsi>, %select_n3A, %reduce_min3A_50 [1] : vector<256x2048xi32> to vector<256xi32>
      %broadcast_in_dim3A_52 = vector.shape_cast %reduce_min3A_51 : vector<256xi32> to vector<256x1xi32>
      %eq3A_53 = vector.broadcast %broadcast_in_dim3A_52 : vector<256x1xi32> to vector<256x2048xi32>
      %eq3A_54 = arith.cmpi eq, %iota3A, %eq3A_53 : vector<256x2048xi32>
      %jit3A_55 = arith.constant 0x7F800000 : f32
      %broadcast_in_dim3A_56 = vector.broadcast %jit3A_55 : f32 to vector<256x2048xf32>
      %select_n3A_57 = arith.select %eq3A_54, %broadcast_in_dim3A_56, %get3A_45 : vector<256x2048xi1>, vector<256x2048xf32>
      %swap3A_58 = arith.constant 0 : index
      %swap3A_59 = arith.constant 0 : index
      %swap3A_60 = vector.load %arg5[%swap3A_58, %swap3A_59] : memref<256x2048xf32, #tpu.memory_space<vmem>>, vector<256x2048xf32>
      tpu.vector_store %arg5[%swap3A_58, %swap3A_59], %select_n3A_57 {strides = array<i32>} : memref<256x2048xf32, #tpu.memory_space<vmem>>, vector<256x2048xf32>,
      %eq3A_61 = vector.broadcast %scan3A_41 : i32 to vector<256x32xi32>
      %eq3A_62 = arith.cmpi eq, %iota3A_23, %eq3A_61 : vector<256x32xi32>
      %broadcast_in_dim3A_63 = vector.shape_cast %reduce_min3A_51 : vector<256xi32> to vector<256x1xi32>
      %broadcast_in_dim3A_64 = vector.shape_cast %broadcast_in_dim3A_63 : vector<256x1xi32> to vector<256x1xi32>
      %broadcast_in_dim3A_65 = vector.broadcast %broadcast_in_dim3A_64 : vector<256x1xi32> to vector<256x32xi32>
      %select_n3A_66 = arith.select %eq3A_62, %broadcast_in_dim3A_65, %scan3A_42 : vector<256x32xi1>, vector<256x32xi32>
      scf.yield %select_n3A_66 : vector<256x32xi32>
    }
    %scan3A_30 = arith.constant 20 : i32
    %slice3A = vector.extract_strided_slice %scan3A_29 {offsets = [0, 0], sizes = [256, 20], strides = [1, 1]} : vector<256x32xi32> to vector<256x20xi32>
    %mul3A_31 = arith.constant 2048 : i32
    %mul3A_32 = arith.muli %arg0, %mul3A_31 : i32
    %add3A_33 = vector.broadcast %mul3A_32 : i32 to vector<256x20xi32>
    %add3A_34 = arith.addi %slice3A, %add3A_33 : vector<256x20xi32>
    %swap3A_35 = arith.constant 0 : index
    %swap3A_36 = arith.constant 0 : index
    %swap3A_37 = arith.constant 0 : index
    %swap3A_38 = vector.load %arg4[%swap3A_35, %swap3A_36, %swap3A_37] : memref<1x256x20xi32, #tpu.memory_space<vmem>>, vector<1x256x20xi32>
    %swap3A_39 = vector.shape_cast %swap3A_38 : vector<1x256x20xi32> to vector<256x20xi32>
    %swap3A_40 = vector.shape_cast %add3A_34 : vector<256x20xi32> to vector<1x256x20xi32>
    tpu.vector_store %arg4[%swap3A_35, %swap3A_36, %swap3A_37], %swap3A_40 {strides = array<i32>} : memref<1x256x20xi32, #tpu.memory_space<vmem>>, vector<1x256x20xi32>,
    return
  }
  func.func @transform_0(%arg0: i32, %arg1: i32) -> (i32, i32, i32) {
    %c0_i32 = arith.constant 0 : i32
    %c0_i32_0 = arith.constant 0 : i32
    return %arg0, %arg1, %c0_i32 : i32, i32, i32
  }
  func.func @transform_1(%arg0: i32, %arg1: i32) -> (i32, i32, i32) {
    %c0_i32 = arith.constant 0 : i32
    %c0_i32_0 = arith.constant 0 : i32
    %c0_i32_1 = arith.constant 0 : i32
    return %arg0, %c0_i32, %c0_i32_0 : i32, i32, i32
  }
  func.func @transform_2(%arg0: i32, %arg1: i32) -> (i32, i32, i32) {
    %c0_i32 = arith.constant 0 : i32
    %c0_i32_0 = arith.constant 0 : i32
    return %arg0, %arg1, %c0_i32 : i32, i32, i32
  }
}

module attributes {stable_mosaic.version = 14 : i64} {
  func.func @_conv_body(%arg0: i32, %arg1: memref<2560x128xf32, #tpu.memory_space<vmem>>, %arg2: memref<128x128xf32, #tpu.memory_space<vmem>>, %arg3: memref<256x128xbf16, #tpu.memory_space<vmem>>, %arg4: memref<128x128xf32, #tpu.memory_space<vmem>>, %arg5: memref<8x128xf32, #tpu.memory_space<vmem>>) attributes {dimension_semantics = [#tpu.dimension_semantics<arbitrary>], iteration_bounds = array<i64: 128>, scalar_prefetch = 0 : i64, scratch_operands = 0 : i64, tpu.core_type = #tpu.core_type<tc>, window_params = [{transform_indices = @transform_0, window_bounds = array<i64: 2560, 128>}, {transform_indices = @transform_1, window_bounds = array<i64: 128, 128>}, {pipeline_mode = #tpu.pipeline_mode<synchronous>, transform_indices = @transform_2, window_bounds = array<i64: 256, 128>}, {transform_indices = @transform_3, window_bounds = array<i64: 128, 128>}, {pipeline_mode = #tpu.pipeline_mode<synchronous>, transform_indices = @transform_4, window_bounds = array<i64: 8, 128>}]} {
    %get3A = arith.constant 0 : index
    %get3A_0 = arith.constant 0 : index
    %get3A_1 = vector.load %arg2[%get3A, %get3A_0] : memref<128x128xf32, #tpu.memory_space<vmem>>, vector<128x128xf32>
    %get3A_2 = arith.constant 0 : index
    %get3A_3 = arith.constant 0 : index
    %get3A_4 = vector.load %arg1[%get3A_2, %get3A_3] : memref<2560x128xf32, #tpu.memory_space<vmem>>, vector<2560x128xf32>
    %broadcast_in_dim3A = vector.shape_cast %get3A_1 : vector<128x128xf32> to vector<128x1x128xf32>
    %broadcast_in_dim3A_5 = vector.shape_cast %broadcast_in_dim3A : vector<128x1x128xf32> to vector<128x1x128xf32>
    %broadcast_in_dim3A_6 = vector.broadcast %broadcast_in_dim3A_5 : vector<128x1x128xf32> to vector<128x20x128xf32>
    %reshape3A = vector.shape_cast %broadcast_in_dim3A_6 : vector<128x20x128xf32> to vector<2560x128xf32>
    %sub3A = arith.subf %get3A_4, %reshape3A : vector<2560x128xf32>
    %convert_element_type3A = arith.truncf %sub3A : vector<2560x128xf32> to vector<2560x128xbf16>
    %convert_element_type3A_7 = arith.truncf %reshape3A : vector<2560x128xf32> to vector<2560x128xbf16>
    %concatenate3A = tpu.concatenate %convert_element_type3A, %convert_element_type3A_7 in 1 : vector<2560x128xbf16>, vector<2560x128xbf16> -> vector<2560x256xbf16>
    %get3A_8 = arith.constant 0 : index
    %get3A_9 = arith.constant 0 : index
    %get3A_10 = vector.load %arg3[%get3A_8, %get3A_9] : memref<256x128xbf16, #tpu.memory_space<vmem>>, vector<256x128xbf16>
    %dot_general3A = arith.constant dense<0.000000e+00> : vector<2560x128xf32>
    %dot_general3A_11 = tpu.matmul %concatenate3A, %get3A_10, %dot_general3A {dimension_numbers = #tpu.dot_dimension_numbers<[1], [0], [0], [1], [0, 0, 1, 1], [], []>, transpose_lhs_hint = false} : vector<2560x256xbf16>, vector<256x128xbf16>, vector<2560x128xf32> -> vector<2560x128xf32>
    %reshape3A_12 = vector.shape_cast %dot_general3A_11 : vector<2560x128xf32> to vector<128x20x128xf32>
    %slice3A = vector.extract_strided_slice %reshape3A_12 {offsets = [0, 0, 0], sizes = [128, 1, 128], strides = [1, 1, 1]} : vector<128x20x128xf32> to vector<128x1x128xf32>
    %squeeze3A = vector.shape_cast %slice3A : vector<128x1x128xf32> to vector<128x128xf32>
    %slice3A_13 = vector.extract_strided_slice %reshape3A_12 {offsets = [0, 1, 0], sizes = [128, 1, 128], strides = [1, 1, 1]} : vector<128x20x128xf32> to vector<128x1x128xf32>
    %squeeze3A_14 = vector.shape_cast %slice3A_13 : vector<128x1x128xf32> to vector<128x128xf32>
    %max3A = arith.maximumf %squeeze3A, %squeeze3A_14 : vector<128x128xf32>
    %slice3A_15 = vector.extract_strided_slice %reshape3A_12 {offsets = [0, 2, 0], sizes = [128, 1, 128], strides = [1, 1, 1]} : vector<128x20x128xf32> to vector<128x1x128xf32>
    %squeeze3A_16 = vector.shape_cast %slice3A_15 : vector<128x1x128xf32> to vector<128x128xf32>
    %max3A_17 = arith.maximumf %max3A, %squeeze3A_16 : vector<128x128xf32>
    %slice3A_18 = vector.extract_strided_slice %reshape3A_12 {offsets = [0, 3, 0], sizes = [128, 1, 128], strides = [1, 1, 1]} : vector<128x20x128xf32> to vector<128x1x128xf32>
    %squeeze3A_19 = vector.shape_cast %slice3A_18 : vector<128x1x128xf32> to vector<128x128xf32>
    %max3A_20 = arith.maximumf %max3A_17, %squeeze3A_19 : vector<128x128xf32>
    %slice3A_21 = vector.extract_strided_slice %reshape3A_12 {offsets = [0, 4, 0], sizes = [128, 1, 128], strides = [1, 1, 1]} : vector<128x20x128xf32> to vector<128x1x128xf32>
    %squeeze3A_22 = vector.shape_cast %slice3A_21 : vector<128x1x128xf32> to vector<128x128xf32>
    %max3A_23 = arith.maximumf %max3A_20, %squeeze3A_22 : vector<128x128xf32>
    %slice3A_24 = vector.extract_strided_slice %reshape3A_12 {offsets = [0, 5, 0], sizes = [128, 1, 128], strides = [1, 1, 1]} : vector<128x20x128xf32> to vector<128x1x128xf32>
    %squeeze3A_25 = vector.shape_cast %slice3A_24 : vector<128x1x128xf32> to vector<128x128xf32>
    %max3A_26 = arith.maximumf %max3A_23, %squeeze3A_25 : vector<128x128xf32>
    %slice3A_27 = vector.extract_strided_slice %reshape3A_12 {offsets = [0, 6, 0], sizes = [128, 1, 128], strides = [1, 1, 1]} : vector<128x20x128xf32> to vector<128x1x128xf32>
    %squeeze3A_28 = vector.shape_cast %slice3A_27 : vector<128x1x128xf32> to vector<128x128xf32>
    %max3A_29 = arith.maximumf %max3A_26, %squeeze3A_28 : vector<128x128xf32>
    %slice3A_30 = vector.extract_strided_slice %reshape3A_12 {offsets = [0, 7, 0], sizes = [128, 1, 128], strides = [1, 1, 1]} : vector<128x20x128xf32> to vector<128x1x128xf32>
    %squeeze3A_31 = vector.shape_cast %slice3A_30 : vector<128x1x128xf32> to vector<128x128xf32>
    %max3A_32 = arith.maximumf %max3A_29, %squeeze3A_31 : vector<128x128xf32>
    %slice3A_33 = vector.extract_strided_slice %reshape3A_12 {offsets = [0, 8, 0], sizes = [128, 1, 128], strides = [1, 1, 1]} : vector<128x20x128xf32> to vector<128x1x128xf32>
    %squeeze3A_34 = vector.shape_cast %slice3A_33 : vector<128x1x128xf32> to vector<128x128xf32>
    %max3A_35 = arith.maximumf %max3A_32, %squeeze3A_34 : vector<128x128xf32>
    %slice3A_36 = vector.extract_strided_slice %reshape3A_12 {offsets = [0, 9, 0], sizes = [128, 1, 128], strides = [1, 1, 1]} : vector<128x20x128xf32> to vector<128x1x128xf32>
    %squeeze3A_37 = vector.shape_cast %slice3A_36 : vector<128x1x128xf32> to vector<128x128xf32>
    %max3A_38 = arith.maximumf %max3A_35, %squeeze3A_37 : vector<128x128xf32>
    %slice3A_39 = vector.extract_strided_slice %reshape3A_12 {offsets = [0, 10, 0], sizes = [128, 1, 128], strides = [1, 1, 1]} : vector<128x20x128xf32> to vector<128x1x128xf32>
    %squeeze3A_40 = vector.shape_cast %slice3A_39 : vector<128x1x128xf32> to vector<128x128xf32>
    %max3A_41 = arith.maximumf %max3A_38, %squeeze3A_40 : vector<128x128xf32>
    %slice3A_42 = vector.extract_strided_slice %reshape3A_12 {offsets = [0, 11, 0], sizes = [128, 1, 128], strides = [1, 1, 1]} : vector<128x20x128xf32> to vector<128x1x128xf32>
    %squeeze3A_43 = vector.shape_cast %slice3A_42 : vector<128x1x128xf32> to vector<128x128xf32>
    %max3A_44 = arith.maximumf %max3A_41, %squeeze3A_43 : vector<128x128xf32>
    %slice3A_45 = vector.extract_strided_slice %reshape3A_12 {offsets = [0, 12, 0], sizes = [128, 1, 128], strides = [1, 1, 1]} : vector<128x20x128xf32> to vector<128x1x128xf32>
    %squeeze3A_46 = vector.shape_cast %slice3A_45 : vector<128x1x128xf32> to vector<128x128xf32>
    %max3A_47 = arith.maximumf %max3A_44, %squeeze3A_46 : vector<128x128xf32>
    %slice3A_48 = vector.extract_strided_slice %reshape3A_12 {offsets = [0, 13, 0], sizes = [128, 1, 128], strides = [1, 1, 1]} : vector<128x20x128xf32> to vector<128x1x128xf32>
    %squeeze3A_49 = vector.shape_cast %slice3A_48 : vector<128x1x128xf32> to vector<128x128xf32>
    %max3A_50 = arith.maximumf %max3A_47, %squeeze3A_49 : vector<128x128xf32>
    %slice3A_51 = vector.extract_strided_slice %reshape3A_12 {offsets = [0, 14, 0], sizes = [128, 1, 128], strides = [1, 1, 1]} : vector<128x20x128xf32> to vector<128x1x128xf32>
    %squeeze3A_52 = vector.shape_cast %slice3A_51 : vector<128x1x128xf32> to vector<128x128xf32>
    %max3A_53 = arith.maximumf %max3A_50, %squeeze3A_52 : vector<128x128xf32>
    %slice3A_54 = vector.extract_strided_slice %reshape3A_12 {offsets = [0, 15, 0], sizes = [128, 1, 128], strides = [1, 1, 1]} : vector<128x20x128xf32> to vector<128x1x128xf32>
    %squeeze3A_55 = vector.shape_cast %slice3A_54 : vector<128x1x128xf32> to vector<128x128xf32>
    %max3A_56 = arith.maximumf %max3A_53, %squeeze3A_55 : vector<128x128xf32>
    %slice3A_57 = vector.extract_strided_slice %reshape3A_12 {offsets = [0, 16, 0], sizes = [128, 1, 128], strides = [1, 1, 1]} : vector<128x20x128xf32> to vector<128x1x128xf32>
    %squeeze3A_58 = vector.shape_cast %slice3A_57 : vector<128x1x128xf32> to vector<128x128xf32>
    %max3A_59 = arith.maximumf %max3A_56, %squeeze3A_58 : vector<128x128xf32>
    %slice3A_60 = vector.extract_strided_slice %reshape3A_12 {offsets = [0, 17, 0], sizes = [128, 1, 128], strides = [1, 1, 1]} : vector<128x20x128xf32> to vector<128x1x128xf32>
    %squeeze3A_61 = vector.shape_cast %slice3A_60 : vector<128x1x128xf32> to vector<128x128xf32>
    %max3A_62 = arith.maximumf %max3A_59, %squeeze3A_61 : vector<128x128xf32>
    %slice3A_63 = vector.extract_strided_slice %reshape3A_12 {offsets = [0, 18, 0], sizes = [128, 1, 128], strides = [1, 1, 1]} : vector<128x20x128xf32> to vector<128x1x128xf32>
    %squeeze3A_64 = vector.shape_cast %slice3A_63 : vector<128x1x128xf32> to vector<128x128xf32>
    %max3A_65 = arith.maximumf %max3A_62, %squeeze3A_64 : vector<128x128xf32>
    %slice3A_66 = vector.extract_strided_slice %reshape3A_12 {offsets = [0, 19, 0], sizes = [128, 1, 128], strides = [1, 1, 1]} : vector<128x20x128xf32> to vector<128x1x128xf32>
    %squeeze3A_67 = vector.shape_cast %slice3A_66 : vector<128x1x128xf32> to vector<128x128xf32>
    %max3A_68 = arith.maximumf %max3A_65, %squeeze3A_67 : vector<128x128xf32>
    %swap3A = arith.constant 0 : index
    %swap3A_69 = arith.constant 0 : index
    %swap3A_70 = vector.load %arg4[%swap3A, %swap3A_69] : memref<128x128xf32, #tpu.memory_space<vmem>>, vector<128x128xf32>
    tpu.vector_store %arg4[%swap3A, %swap3A_69], %max3A_68 {strides = array<i32>} : memref<128x128xf32, #tpu.memory_space<vmem>>, vector<128x128xf32>,
    %reduce_sum3A = arith.constant dense<0.000000e+00> : vector<128xf32>
    %reduce_sum3A_71 = vector.multi_reduction <add>, %dot_general3A_11, %reduce_sum3A [0] : vector<2560x128xf32> to vector<128xf32>
    %mul3A = arith.mulf %dot_general3A_11, %dot_general3A_11 : vector<2560x128xf32>
    %reduce_sum3A_72 = arith.constant dense<0.000000e+00> : vector<128xf32>
    %reduce_sum3A_73 = vector.multi_reduction <add>, %mul3A, %reduce_sum3A_72 [0] : vector<2560x128xf32> to vector<128xf32>
    %broadcast_in_dim3A_74 = arith.constant 0.000000e+00 : f32
    %broadcast_in_dim3A_75 = vector.broadcast %broadcast_in_dim3A_74 : f32 to vector<128xf32>
    %eq3A = arith.constant 0 : i32
    %eq3A_76 = arith.cmpi eq, %arg0, %eq3A : i32
    %convert_element_type3A_77 = arith.extui %eq3A_76 : i1 to i32
    %cond3A = arith.constant 0 : i32
    %cond3A_78 = arith.cmpi ne, %convert_element_type3A_77, %cond3A : i32
    scf.if %cond3A_78 {
      %broadcast_in_dim3A_93 = arith.constant 0.000000e+00 : f32
      %broadcast_in_dim3A_94 = vector.broadcast %broadcast_in_dim3A_93 : f32 to vector<8x128xf32>
      %swap3A_95 = arith.constant 0 : index
      %swap3A_96 = arith.constant 0 : index
      %swap3A_97 = vector.load %arg5[%swap3A_95, %swap3A_96] : memref<8x128xf32, #tpu.memory_space<vmem>>, vector<8x128xf32>
      tpu.vector_store %arg5[%swap3A_95, %swap3A_96], %broadcast_in_dim3A_94 {strides = array<i32>} : memref<8x128xf32, #tpu.memory_space<vmem>>, vector<8x128xf32>,
    } else {
    }
    %get3A_79 = arith.constant 0 : index
    %get3A_80 = arith.constant 0 : index
    %get3A_81 = vector.load %arg5[%get3A_79, %get3A_80] : memref<8x128xf32, #tpu.memory_space<vmem>>, vector<8x128xf32>
    %stack3A = vector.shape_cast %reduce_sum3A_71 : vector<128xf32> to vector<1x128xf32>
    %stack3A_82 = vector.shape_cast %reduce_sum3A_73 : vector<128xf32> to vector<1x128xf32>
    %stack3A_83 = vector.shape_cast %broadcast_in_dim3A_75 : vector<128xf32> to vector<1x128xf32>
    %stack3A_84 = vector.shape_cast %broadcast_in_dim3A_75 : vector<128xf32> to vector<1x128xf32>
    %stack3A_85 = vector.shape_cast %broadcast_in_dim3A_75 : vector<128xf32> to vector<1x128xf32>
    %stack3A_86 = vector.shape_cast %broadcast_in_dim3A_75 : vector<128xf32> to vector<1x128xf32>
    %stack3A_87 = vector.shape_cast %broadcast_in_dim3A_75 : vector<128xf32> to vector<1x128xf32>
    %stack3A_88 = vector.shape_cast %broadcast_in_dim3A_75 : vector<128xf32> to vector<1x128xf32>
    %stack3A_89 = tpu.concatenate %stack3A, %stack3A_82, %stack3A_83, %stack3A_84, %stack3A_85, %stack3A_86, %stack3A_87, %stack3A_88 in 0 : vector<1x128xf32>, vector<1x128xf32>, vector<1x128xf32>, vector<1x128xf32>, vector<1x128xf32>, vector<1x128xf32>, vector<1x128xf32>, vector<1x128xf32> -> vector<8x128xf32>
    %add3A = arith.addf %get3A_81, %stack3A_89 : vector<8x128xf32>
    %swap3A_90 = arith.constant 0 : index
    %swap3A_91 = arith.constant 0 : index
    %swap3A_92 = vector.load %arg5[%swap3A_90, %swap3A_91] : memref<8x128xf32, #tpu.memory_space<vmem>>, vector<8x128xf32>
    tpu.vector_store %arg5[%swap3A_90, %swap3A_91], %add3A {strides = array<i32>} : memref<8x128xf32, #tpu.memory_space<vmem>>, vector<8x128xf32>,
    return
  }
  func.func @transform_0(%arg0: i32) -> (i32, i32) {
    %c0_i32 = arith.constant 0 : i32
    %c0_i32_0 = arith.constant 0 : i32
    return %arg0, %c0_i32 : i32, i32
  }
  func.func @transform_1(%arg0: i32) -> (i32, i32) {
    %c0_i32 = arith.constant 0 : i32
    %c0_i32_0 = arith.constant 0 : i32
    return %arg0, %c0_i32 : i32, i32
  }
  func.func @transform_2(%arg0: i32) -> (i32, i32) {
    %c0_i32 = arith.constant 0 : i32
    %c0_i32_0 = arith.constant 0 : i32
    %c0_i32_1 = arith.constant 0 : i32
    return %c0_i32, %c0_i32_0 : i32, i32
  }
  func.func @transform_3(%arg0: i32) -> (i32, i32) {
    %c0_i32 = arith.constant 0 : i32
    %c0_i32_0 = arith.constant 0 : i32
    return %arg0, %c0_i32 : i32, i32
  }
  func.func @transform_4(%arg0: i32) -> (i32, i32) {
    %c0_i32 = arith.constant 0 : i32
    %c0_i32_0 = arith.constant 0 : i32
    %c0_i32_1 = arith.constant 0 : i32
    return %c0_i32, %c0_i32_0 : i32, i32
  }
}

module attributes {stable_mosaic.version = 14 : i64} {
  func.func @_apply_body(%arg0: i32, %arg1: i32, %arg2: memref<1x1024x128xf32, #tpu.memory_space<vmem>>, %arg3: memref<1x128xf32, #tpu.memory_space<vmem>>, %arg4: memref<1x128xf32, #tpu.memory_space<vmem>>, %arg5: memref<1x128xf32, #tpu.memory_space<vmem>>, %arg6: memref<1x128xf32, #tpu.memory_space<vmem>>, %arg7: memref<1x1024x128xf32, #tpu.memory_space<vmem>>, %arg8: memref<1x1x128xf32, #tpu.memory_space<vmem>>, %arg9: memref<1x1x128xf32, #tpu.memory_space<vmem>>) attributes {dimension_semantics = [#tpu.dimension_semantics<arbitrary>, #tpu.dimension_semantics<arbitrary>], iteration_bounds = array<i64: 8, 2>, scalar_prefetch = 0 : i64, scratch_operands = 0 : i64, tpu.core_type = #tpu.core_type<tc>, window_params = [{transform_indices = @transform_0, window_bounds = array<i64: 1, 1024, 128>}, {pipeline_mode = #tpu.pipeline_mode<synchronous>, transform_indices = @transform_1, window_bounds = array<i64: 1, 128>}, {pipeline_mode = #tpu.pipeline_mode<synchronous>, transform_indices = @transform_2, window_bounds = array<i64: 1, 128>}, {pipeline_mode = #tpu.pipeline_mode<synchronous>, transform_indices = @transform_3, window_bounds = array<i64: 1, 128>}, {pipeline_mode = #tpu.pipeline_mode<synchronous>, transform_indices = @transform_4, window_bounds = array<i64: 1, 128>}, {transform_indices = @transform_5, window_bounds = array<i64: 1, 1024, 128>}, {transform_indices = @transform_6, window_bounds = array<i64: 1, 1, 128>}, {transform_indices = @transform_7, window_bounds = array<i64: 1, 1, 128>}]} {
    %get3A = arith.constant 0 : index
    %get3A_0 = arith.constant 0 : index
    %get3A_1 = arith.constant 0 : index
    %get3A_2 = vector.load %arg2[%get3A, %get3A_0, %get3A_1] : memref<1x1024x128xf32, #tpu.memory_space<vmem>>, vector<1x1024x128xf32>
    %get3A_3 = vector.shape_cast %get3A_2 : vector<1x1024x128xf32> to vector<1024x128xf32>
    %get3A_4 = arith.constant 0 : index
    %get3A_5 = arith.constant 0 : index
    %get3A_6 = vector.load %arg3[%get3A_4, %get3A_5] : memref<1x128xf32, #tpu.memory_space<vmem>>, vector<1x128xf32>
    %sub3A = vector.broadcast %get3A_6 : vector<1x128xf32> to vector<1024x128xf32>
    %sub3A_7 = arith.subf %get3A_3, %sub3A : vector<1024x128xf32>
    %get3A_8 = arith.constant 0 : index
    %get3A_9 = arith.constant 0 : index
    %get3A_10 = vector.load %arg4[%get3A_8, %get3A_9] : memref<1x128xf32, #tpu.memory_space<vmem>>, vector<1x128xf32>
    %add3A = arith.constant 9.99999974E-6 : f32
    %add3A_11 = vector.broadcast %add3A : f32 to vector<1x128xf32>
    %add3A_12 = arith.addf %get3A_10, %add3A_11 : vector<1x128xf32>
    %sqrt3A = math.sqrt %add3A_12 : vector<1x128xf32>
    %div3A = vector.broadcast %sqrt3A : vector<1x128xf32> to vector<1024x128xf32>
    %div3A_13 = arith.divf %sub3A_7, %div3A : vector<1024x128xf32>
    %get3A_14 = arith.constant 0 : index
    %get3A_15 = arith.constant 0 : index
    %get3A_16 = vector.load %arg5[%get3A_14, %get3A_15] : memref<1x128xf32, #tpu.memory_space<vmem>>, vector<1x128xf32>
    %mul3A = vector.broadcast %get3A_16 : vector<1x128xf32> to vector<1024x128xf32>
    %mul3A_17 = arith.mulf %div3A_13, %mul3A : vector<1024x128xf32>
    %get3A_18 = arith.constant 0 : index
    %get3A_19 = arith.constant 0 : index
    %get3A_20 = vector.load %arg6[%get3A_18, %get3A_19] : memref<1x128xf32, #tpu.memory_space<vmem>>, vector<1x128xf32>
    %add3A_21 = vector.broadcast %get3A_20 : vector<1x128xf32> to vector<1024x128xf32>
    %add3A_22 = arith.addf %mul3A_17, %add3A_21 : vector<1024x128xf32>
    %max3A = arith.constant 0.000000e+00 : f32
    %max3A_23 = vector.broadcast %max3A : f32 to vector<1024x128xf32>
    %max3A_24 = arith.maximumf %add3A_22, %max3A_23 : vector<1024x128xf32>
    %swap3A = arith.constant 0 : index
    %swap3A_25 = arith.constant 0 : index
    %swap3A_26 = arith.constant 0 : index
    %swap3A_27 = vector.load %arg7[%swap3A, %swap3A_25, %swap3A_26] : memref<1x1024x128xf32, #tpu.memory_space<vmem>>, vector<1x1024x128xf32>
    %swap3A_28 = vector.shape_cast %swap3A_27 : vector<1x1024x128xf32> to vector<1024x128xf32>
    %swap3A_29 = vector.shape_cast %max3A_24 : vector<1024x128xf32> to vector<1x1024x128xf32>
    tpu.vector_store %arg7[%swap3A, %swap3A_25, %swap3A_26], %swap3A_29 {strides = array<i32>} : memref<1x1024x128xf32, #tpu.memory_space<vmem>>, vector<1x1024x128xf32>,
    %reduce_max3A = arith.constant dense<0xFF800000> : vector<128xf32>
    %reduce_max3A_30 = vector.multi_reduction <maximumf>, %max3A_24, %reduce_max3A [0] : vector<1024x128xf32> to vector<128xf32>
    %broadcast_in_dim3A = vector.shape_cast %reduce_max3A_30 : vector<128xf32> to vector<1x128xf32>
    %reduce_sum3A = arith.constant dense<0.000000e+00> : vector<128xf32>
    %reduce_sum3A_31 = vector.multi_reduction <add>, %max3A_24, %reduce_sum3A [0] : vector<1024x128xf32> to vector<128xf32>
    %broadcast_in_dim3A_32 = vector.shape_cast %reduce_sum3A_31 : vector<128xf32> to vector<1x128xf32>
    %eq3A = arith.constant 0 : i32
    %eq3A_33 = arith.cmpi eq, %arg1, %eq3A : i32
    %convert_element_type3A = arith.extui %eq3A_33 : i1 to i32
    %cond3A = arith.constant 0 : i32
    %cond3A_34 = arith.cmpi ne, %convert_element_type3A, %cond3A : i32
    scf.if %cond3A_34 {
      %swap3A_39 = arith.constant 0 : index
      %swap3A_40 = arith.constant 0 : index
      %swap3A_41 = arith.constant 0 : index
      %swap3A_42 = vector.load %arg8[%swap3A_39, %swap3A_40, %swap3A_41] : memref<1x1x128xf32, #tpu.memory_space<vmem>>, vector<1x1x128xf32>
      %swap3A_43 = vector.shape_cast %swap3A_42 : vector<1x1x128xf32> to vector<1x128xf32>
      %swap3A_44 = vector.shape_cast %broadcast_in_dim3A : vector<1x128xf32> to vector<1x1x128xf32>
      tpu.vector_store %arg8[%swap3A_39, %swap3A_40, %swap3A_41], %swap3A_44 {strides = array<i32>} : memref<1x1x128xf32, #tpu.memory_space<vmem>>, vector<1x1x128xf32>,
      %swap3A_45 = arith.constant 0 : index
      %swap3A_46 = arith.constant 0 : index
      %swap3A_47 = arith.constant 0 : index
      %swap3A_48 = vector.load %arg9[%swap3A_45, %swap3A_46, %swap3A_47] : memref<1x1x128xf32, #tpu.memory_space<vmem>>, vector<1x1x128xf32>
      %swap3A_49 = vector.shape_cast %swap3A_48 : vector<1x1x128xf32> to vector<1x128xf32>
      %swap3A_50 = vector.shape_cast %broadcast_in_dim3A_32 : vector<1x128xf32> to vector<1x1x128xf32>
      tpu.vector_store %arg9[%swap3A_45, %swap3A_46, %swap3A_47], %swap3A_50 {strides = array<i32>} : memref<1x1x128xf32, #tpu.memory_space<vmem>>, vector<1x1x128xf32>,
    } else {
    }
    %gt3A = arith.constant 0 : i32
    %gt3A_35 = arith.cmpi sgt, %arg1, %gt3A : i32
    %convert_element_type3A_36 = arith.extui %gt3A_35 : i1 to i32
    %cond3A_37 = arith.constant 0 : i32
    %cond3A_38 = arith.cmpi ne, %convert_element_type3A_36, %cond3A_37 : i32
    scf.if %cond3A_38 {
      %get3A_39 = arith.constant 0 : index
      %get3A_40 = arith.constant 0 : index
      %get3A_41 = arith.constant 0 : index
      %get3A_42 = vector.load %arg8[%get3A_39, %get3A_40, %get3A_41] : memref<1x1x128xf32, #tpu.memory_space<vmem>>, vector<1x1x128xf32>
      %get3A_43 = vector.shape_cast %get3A_42 : vector<1x1x128xf32> to vector<1x128xf32>
      %max3A_44 = arith.maximumf %get3A_43, %broadcast_in_dim3A : vector<1x128xf32>
      %swap3A_45 = arith.constant 0 : index
      %swap3A_46 = arith.constant 0 : index
      %swap3A_47 = arith.constant 0 : index
      %swap3A_48 = vector.load %arg8[%swap3A_45, %swap3A_46, %swap3A_47] : memref<1x1x128xf32, #tpu.memory_space<vmem>>, vector<1x1x128xf32>
      %swap3A_49 = vector.shape_cast %swap3A_48 : vector<1x1x128xf32> to vector<1x128xf32>
      %swap3A_50 = vector.shape_cast %max3A_44 : vector<1x128xf32> to vector<1x1x128xf32>
      tpu.vector_store %arg8[%swap3A_45, %swap3A_46, %swap3A_47], %swap3A_50 {strides = array<i32>} : memref<1x1x128xf32, #tpu.memory_space<vmem>>, vector<1x1x128xf32>,
      %get3A_51 = arith.constant 0 : index
      %get3A_52 = arith.constant 0 : index
      %get3A_53 = arith.constant 0 : index
      %get3A_54 = vector.load %arg9[%get3A_51, %get3A_52, %get3A_53] : memref<1x1x128xf32, #tpu.memory_space<vmem>>, vector<1x1x128xf32>
      %get3A_55 = vector.shape_cast %get3A_54 : vector<1x1x128xf32> to vector<1x128xf32>
      %add3A_56 = arith.addf %get3A_55, %broadcast_in_dim3A_32 : vector<1x128xf32>
      %swap3A_57 = arith.constant 0 : index
      %swap3A_58 = arith.constant 0 : index
      %swap3A_59 = arith.constant 0 : index
      %swap3A_60 = vector.load %arg9[%swap3A_57, %swap3A_58, %swap3A_59] : memref<1x1x128xf32, #tpu.memory_space<vmem>>, vector<1x1x128xf32>
      %swap3A_61 = vector.shape_cast %swap3A_60 : vector<1x1x128xf32> to vector<1x128xf32>
      %swap3A_62 = vector.shape_cast %add3A_56 : vector<1x128xf32> to vector<1x1x128xf32>
      tpu.vector_store %arg9[%swap3A_57, %swap3A_58, %swap3A_59], %swap3A_62 {strides = array<i32>} : memref<1x1x128xf32, #tpu.memory_space<vmem>>, vector<1x1x128xf32>,
    } else {
    }
    return
  }
  func.func @transform_0(%arg0: i32, %arg1: i32) -> (i32, i32, i32) {
    %c0_i32 = arith.constant 0 : i32
    %c0_i32_0 = arith.constant 0 : i32
    return %arg0, %arg1, %c0_i32 : i32, i32, i32
  }
  func.func @transform_1(%arg0: i32, %arg1: i32) -> (i32, i32) {
    %c0_i32 = arith.constant 0 : i32
    %c0_i32_0 = arith.constant 0 : i32
    %c0_i32_1 = arith.constant 0 : i32
    return %c0_i32, %c0_i32_0 : i32, i32
  }
  func.func @transform_2(%arg0: i32, %arg1: i32) -> (i32, i32) {
    %c0_i32 = arith.constant 0 : i32
    %c0_i32_0 = arith.constant 0 : i32
    %c0_i32_1 = arith.constant 0 : i32
    return %c0_i32, %c0_i32_0 : i32, i32
  }
  func.func @transform_3(%arg0: i32, %arg1: i32) -> (i32, i32) {
    %c0_i32 = arith.constant 0 : i32
    %c0_i32_0 = arith.constant 0 : i32
    %c0_i32_1 = arith.constant 0 : i32
    return %c0_i32, %c0_i32_0 : i32, i32
  }
  func.func @transform_4(%arg0: i32, %arg1: i32) -> (i32, i32) {
    %c0_i32 = arith.constant 0 : i32
    %c0_i32_0 = arith.constant 0 : i32
    %c0_i32_1 = arith.constant 0 : i32
    return %c0_i32, %c0_i32_0 : i32, i32
  }
  func.func @transform_5(%arg0: i32, %arg1: i32) -> (i32, i32, i32) {
    %c0_i32 = arith.constant 0 : i32
    %c0_i32_0 = arith.constant 0 : i32
    return %arg0, %arg1, %c0_i32 : i32, i32, i32
  }
  func.func @transform_6(%arg0: i32, %arg1: i32) -> (i32, i32, i32) {
    %c0_i32 = arith.constant 0 : i32
    %c0_i32_0 = arith.constant 0 : i32
    %c0_i32_1 = arith.constant 0 : i32
    return %arg0, %c0_i32, %c0_i32_0 : i32, i32, i32
  }
  func.func @transform_7(%arg0: i32, %arg1: i32) -> (i32, i32, i32) {
    %c0_i32 = arith.constant 0 : i32
    %c0_i32_0 = arith.constant 0 : i32
    %c0_i32_1 = arith.constant 0 : i32
    return %arg0, %c0_i32, %c0_i32_0 : i32, i32, i32
  }
}

module attributes {stable_mosaic.version = 14 : i64} {
  func.func @_conv_body(%arg0: i32, %arg1: memref<2560x128xf32, #tpu.memory_space<vmem>>, %arg2: memref<128x128xf32, #tpu.memory_space<vmem>>, %arg3: memref<256x256xbf16, #tpu.memory_space<vmem>>, %arg4: memref<128x256xf32, #tpu.memory_space<vmem>>, %arg5: memref<8x256xf32, #tpu.memory_space<vmem>>) attributes {dimension_semantics = [#tpu.dimension_semantics<arbitrary>], iteration_bounds = array<i64: 128>, scalar_prefetch = 0 : i64, scratch_operands = 0 : i64, tpu.core_type = #tpu.core_type<tc>, window_params = [{transform_indices = @transform_0, window_bounds = array<i64: 2560, 128>}, {transform_indices = @transform_1, window_bounds = array<i64: 128, 128>}, {pipeline_mode = #tpu.pipeline_mode<synchronous>, transform_indices = @transform_2, window_bounds = array<i64: 256, 256>}, {transform_indices = @transform_3, window_bounds = array<i64: 128, 256>}, {pipeline_mode = #tpu.pipeline_mode<synchronous>, transform_indices = @transform_4, window_bounds = array<i64: 8, 256>}]} {
    %get3A = arith.constant 0 : index
    %get3A_0 = arith.constant 0 : index
    %get3A_1 = vector.load %arg2[%get3A, %get3A_0] : memref<128x128xf32, #tpu.memory_space<vmem>>, vector<128x128xf32>
    %get3A_2 = arith.constant 0 : index
    %get3A_3 = arith.constant 0 : index
    %get3A_4 = vector.load %arg1[%get3A_2, %get3A_3] : memref<2560x128xf32, #tpu.memory_space<vmem>>, vector<2560x128xf32>
    %broadcast_in_dim3A = vector.shape_cast %get3A_1 : vector<128x128xf32> to vector<128x1x128xf32>
    %broadcast_in_dim3A_5 = vector.shape_cast %broadcast_in_dim3A : vector<128x1x128xf32> to vector<128x1x128xf32>
    %broadcast_in_dim3A_6 = vector.broadcast %broadcast_in_dim3A_5 : vector<128x1x128xf32> to vector<128x20x128xf32>
    %reshape3A = vector.shape_cast %broadcast_in_dim3A_6 : vector<128x20x128xf32> to vector<2560x128xf32>
    %sub3A = arith.subf %get3A_4, %reshape3A : vector<2560x128xf32>
    %convert_element_type3A = arith.truncf %sub3A : vector<2560x128xf32> to vector<2560x128xbf16>
    %convert_element_type3A_7 = arith.truncf %reshape3A : vector<2560x128xf32> to vector<2560x128xbf16>
    %concatenate3A = tpu.concatenate %convert_element_type3A, %convert_element_type3A_7 in 1 : vector<2560x128xbf16>, vector<2560x128xbf16> -> vector<2560x256xbf16>
    %get3A_8 = arith.constant 0 : index
    %get3A_9 = arith.constant 0 : index
    %get3A_10 = vector.load %arg3[%get3A_8, %get3A_9] : memref<256x256xbf16, #tpu.memory_space<vmem>>, vector<256x256xbf16>
    %dot_general3A = arith.constant dense<0.000000e+00> : vector<2560x256xf32>
    %dot_general3A_11 = tpu.matmul %concatenate3A, %get3A_10, %dot_general3A {dimension_numbers = #tpu.dot_dimension_numbers<[1], [0], [0], [1], [0, 0, 1, 1], [], []>, transpose_lhs_hint = false} : vector<2560x256xbf16>, vector<256x256xbf16>, vector<2560x256xf32> -> vector<2560x256xf32>
    %reshape3A_12 = vector.shape_cast %dot_general3A_11 : vector<2560x256xf32> to vector<128x20x256xf32>
    %slice3A = vector.extract_strided_slice %reshape3A_12 {offsets = [0, 0, 0], sizes = [128, 1, 256], strides = [1, 1, 1]} : vector<128x20x256xf32> to vector<128x1x256xf32>
    %squeeze3A = vector.shape_cast %slice3A : vector<128x1x256xf32> to vector<128x256xf32>
    %slice3A_13 = vector.extract_strided_slice %reshape3A_12 {offsets = [0, 1, 0], sizes = [128, 1, 256], strides = [1, 1, 1]} : vector<128x20x256xf32> to vector<128x1x256xf32>
    %squeeze3A_14 = vector.shape_cast %slice3A_13 : vector<128x1x256xf32> to vector<128x256xf32>
    %max3A = arith.maximumf %squeeze3A, %squeeze3A_14 : vector<128x256xf32>
    %slice3A_15 = vector.extract_strided_slice %reshape3A_12 {offsets = [0, 2, 0], sizes = [128, 1, 256], strides = [1, 1, 1]} : vector<128x20x256xf32> to vector<128x1x256xf32>
    %squeeze3A_16 = vector.shape_cast %slice3A_15 : vector<128x1x256xf32> to vector<128x256xf32>
    %max3A_17 = arith.maximumf %max3A, %squeeze3A_16 : vector<128x256xf32>
    %slice3A_18 = vector.extract_strided_slice %reshape3A_12 {offsets = [0, 3, 0], sizes = [128, 1, 256], strides = [1, 1, 1]} : vector<128x20x256xf32> to vector<128x1x256xf32>
    %squeeze3A_19 = vector.shape_cast %slice3A_18 : vector<128x1x256xf32> to vector<128x256xf32>
    %max3A_20 = arith.maximumf %max3A_17, %squeeze3A_19 : vector<128x256xf32>
    %slice3A_21 = vector.extract_strided_slice %reshape3A_12 {offsets = [0, 4, 0], sizes = [128, 1, 256], strides = [1, 1, 1]} : vector<128x20x256xf32> to vector<128x1x256xf32>
    %squeeze3A_22 = vector.shape_cast %slice3A_21 : vector<128x1x256xf32> to vector<128x256xf32>
    %max3A_23 = arith.maximumf %max3A_20, %squeeze3A_22 : vector<128x256xf32>
    %slice3A_24 = vector.extract_strided_slice %reshape3A_12 {offsets = [0, 5, 0], sizes = [128, 1, 256], strides = [1, 1, 1]} : vector<128x20x256xf32> to vector<128x1x256xf32>
    %squeeze3A_25 = vector.shape_cast %slice3A_24 : vector<128x1x256xf32> to vector<128x256xf32>
    %max3A_26 = arith.maximumf %max3A_23, %squeeze3A_25 : vector<128x256xf32>
    %slice3A_27 = vector.extract_strided_slice %reshape3A_12 {offsets = [0, 6, 0], sizes = [128, 1, 256], strides = [1, 1, 1]} : vector<128x20x256xf32> to vector<128x1x256xf32>
    %squeeze3A_28 = vector.shape_cast %slice3A_27 : vector<128x1x256xf32> to vector<128x256xf32>
    %max3A_29 = arith.maximumf %max3A_26, %squeeze3A_28 : vector<128x256xf32>
    %slice3A_30 = vector.extract_strided_slice %reshape3A_12 {offsets = [0, 7, 0], sizes = [128, 1, 256], strides = [1, 1, 1]} : vector<128x20x256xf32> to vector<128x1x256xf32>
    %squeeze3A_31 = vector.shape_cast %slice3A_30 : vector<128x1x256xf32> to vector<128x256xf32>
    %max3A_32 = arith.maximumf %max3A_29, %squeeze3A_31 : vector<128x256xf32>
    %slice3A_33 = vector.extract_strided_slice %reshape3A_12 {offsets = [0, 8, 0], sizes = [128, 1, 256], strides = [1, 1, 1]} : vector<128x20x256xf32> to vector<128x1x256xf32>
    %squeeze3A_34 = vector.shape_cast %slice3A_33 : vector<128x1x256xf32> to vector<128x256xf32>
    %max3A_35 = arith.maximumf %max3A_32, %squeeze3A_34 : vector<128x256xf32>
    %slice3A_36 = vector.extract_strided_slice %reshape3A_12 {offsets = [0, 9, 0], sizes = [128, 1, 256], strides = [1, 1, 1]} : vector<128x20x256xf32> to vector<128x1x256xf32>
    %squeeze3A_37 = vector.shape_cast %slice3A_36 : vector<128x1x256xf32> to vector<128x256xf32>
    %max3A_38 = arith.maximumf %max3A_35, %squeeze3A_37 : vector<128x256xf32>
    %slice3A_39 = vector.extract_strided_slice %reshape3A_12 {offsets = [0, 10, 0], sizes = [128, 1, 256], strides = [1, 1, 1]} : vector<128x20x256xf32> to vector<128x1x256xf32>
    %squeeze3A_40 = vector.shape_cast %slice3A_39 : vector<128x1x256xf32> to vector<128x256xf32>
    %max3A_41 = arith.maximumf %max3A_38, %squeeze3A_40 : vector<128x256xf32>
    %slice3A_42 = vector.extract_strided_slice %reshape3A_12 {offsets = [0, 11, 0], sizes = [128, 1, 256], strides = [1, 1, 1]} : vector<128x20x256xf32> to vector<128x1x256xf32>
    %squeeze3A_43 = vector.shape_cast %slice3A_42 : vector<128x1x256xf32> to vector<128x256xf32>
    %max3A_44 = arith.maximumf %max3A_41, %squeeze3A_43 : vector<128x256xf32>
    %slice3A_45 = vector.extract_strided_slice %reshape3A_12 {offsets = [0, 12, 0], sizes = [128, 1, 256], strides = [1, 1, 1]} : vector<128x20x256xf32> to vector<128x1x256xf32>
    %squeeze3A_46 = vector.shape_cast %slice3A_45 : vector<128x1x256xf32> to vector<128x256xf32>
    %max3A_47 = arith.maximumf %max3A_44, %squeeze3A_46 : vector<128x256xf32>
    %slice3A_48 = vector.extract_strided_slice %reshape3A_12 {offsets = [0, 13, 0], sizes = [128, 1, 256], strides = [1, 1, 1]} : vector<128x20x256xf32> to vector<128x1x256xf32>
    %squeeze3A_49 = vector.shape_cast %slice3A_48 : vector<128x1x256xf32> to vector<128x256xf32>
    %max3A_50 = arith.maximumf %max3A_47, %squeeze3A_49 : vector<128x256xf32>
    %slice3A_51 = vector.extract_strided_slice %reshape3A_12 {offsets = [0, 14, 0], sizes = [128, 1, 256], strides = [1, 1, 1]} : vector<128x20x256xf32> to vector<128x1x256xf32>
    %squeeze3A_52 = vector.shape_cast %slice3A_51 : vector<128x1x256xf32> to vector<128x256xf32>
    %max3A_53 = arith.maximumf %max3A_50, %squeeze3A_52 : vector<128x256xf32>
    %slice3A_54 = vector.extract_strided_slice %reshape3A_12 {offsets = [0, 15, 0], sizes = [128, 1, 256], strides = [1, 1, 1]} : vector<128x20x256xf32> to vector<128x1x256xf32>
    %squeeze3A_55 = vector.shape_cast %slice3A_54 : vector<128x1x256xf32> to vector<128x256xf32>
    %max3A_56 = arith.maximumf %max3A_53, %squeeze3A_55 : vector<128x256xf32>
    %slice3A_57 = vector.extract_strided_slice %reshape3A_12 {offsets = [0, 16, 0], sizes = [128, 1, 256], strides = [1, 1, 1]} : vector<128x20x256xf32> to vector<128x1x256xf32>
    %squeeze3A_58 = vector.shape_cast %slice3A_57 : vector<128x1x256xf32> to vector<128x256xf32>
    %max3A_59 = arith.maximumf %max3A_56, %squeeze3A_58 : vector<128x256xf32>
    %slice3A_60 = vector.extract_strided_slice %reshape3A_12 {offsets = [0, 17, 0], sizes = [128, 1, 256], strides = [1, 1, 1]} : vector<128x20x256xf32> to vector<128x1x256xf32>
    %squeeze3A_61 = vector.shape_cast %slice3A_60 : vector<128x1x256xf32> to vector<128x256xf32>
    %max3A_62 = arith.maximumf %max3A_59, %squeeze3A_61 : vector<128x256xf32>
    %slice3A_63 = vector.extract_strided_slice %reshape3A_12 {offsets = [0, 18, 0], sizes = [128, 1, 256], strides = [1, 1, 1]} : vector<128x20x256xf32> to vector<128x1x256xf32>
    %squeeze3A_64 = vector.shape_cast %slice3A_63 : vector<128x1x256xf32> to vector<128x256xf32>
    %max3A_65 = arith.maximumf %max3A_62, %squeeze3A_64 : vector<128x256xf32>
    %slice3A_66 = vector.extract_strided_slice %reshape3A_12 {offsets = [0, 19, 0], sizes = [128, 1, 256], strides = [1, 1, 1]} : vector<128x20x256xf32> to vector<128x1x256xf32>
    %squeeze3A_67 = vector.shape_cast %slice3A_66 : vector<128x1x256xf32> to vector<128x256xf32>
    %max3A_68 = arith.maximumf %max3A_65, %squeeze3A_67 : vector<128x256xf32>
    %swap3A = arith.constant 0 : index
    %swap3A_69 = arith.constant 0 : index
    %swap3A_70 = vector.load %arg4[%swap3A, %swap3A_69] : memref<128x256xf32, #tpu.memory_space<vmem>>, vector<128x256xf32>
    tpu.vector_store %arg4[%swap3A, %swap3A_69], %max3A_68 {strides = array<i32>} : memref<128x256xf32, #tpu.memory_space<vmem>>, vector<128x256xf32>,
    %reduce_sum3A = arith.constant dense<0.000000e+00> : vector<256xf32>
    %reduce_sum3A_71 = vector.multi_reduction <add>, %dot_general3A_11, %reduce_sum3A [0] : vector<2560x256xf32> to vector<256xf32>
    %mul3A = arith.mulf %dot_general3A_11, %dot_general3A_11 : vector<2560x256xf32>
    %reduce_sum3A_72 = arith.constant dense<0.000000e+00> : vector<256xf32>
    %reduce_sum3A_73 = vector.multi_reduction <add>, %mul3A, %reduce_sum3A_72 [0] : vector<2560x256xf32> to vector<256xf32>
    %broadcast_in_dim3A_74 = arith.constant 0.000000e+00 : f32
    %broadcast_in_dim3A_75 = vector.broadcast %broadcast_in_dim3A_74 : f32 to vector<256xf32>
    %eq3A = arith.constant 0 : i32
    %eq3A_76 = arith.cmpi eq, %arg0, %eq3A : i32
    %convert_element_type3A_77 = arith.extui %eq3A_76 : i1 to i32
    %cond3A = arith.constant 0 : i32
    %cond3A_78 = arith.cmpi ne, %convert_element_type3A_77, %cond3A : i32
    scf.if %cond3A_78 {
      %broadcast_in_dim3A_93 = arith.constant 0.000000e+00 : f32
      %broadcast_in_dim3A_94 = vector.broadcast %broadcast_in_dim3A_93 : f32 to vector<8x256xf32>
      %swap3A_95 = arith.constant 0 : index
      %swap3A_96 = arith.constant 0 : index
      %swap3A_97 = vector.load %arg5[%swap3A_95, %swap3A_96] : memref<8x256xf32, #tpu.memory_space<vmem>>, vector<8x256xf32>
      tpu.vector_store %arg5[%swap3A_95, %swap3A_96], %broadcast_in_dim3A_94 {strides = array<i32>} : memref<8x256xf32, #tpu.memory_space<vmem>>, vector<8x256xf32>,
    } else {
    }
    %get3A_79 = arith.constant 0 : index
    %get3A_80 = arith.constant 0 : index
    %get3A_81 = vector.load %arg5[%get3A_79, %get3A_80] : memref<8x256xf32, #tpu.memory_space<vmem>>, vector<8x256xf32>
    %stack3A = vector.shape_cast %reduce_sum3A_71 : vector<256xf32> to vector<1x256xf32>
    %stack3A_82 = vector.shape_cast %reduce_sum3A_73 : vector<256xf32> to vector<1x256xf32>
    %stack3A_83 = vector.shape_cast %broadcast_in_dim3A_75 : vector<256xf32> to vector<1x256xf32>
    %stack3A_84 = vector.shape_cast %broadcast_in_dim3A_75 : vector<256xf32> to vector<1x256xf32>
    %stack3A_85 = vector.shape_cast %broadcast_in_dim3A_75 : vector<256xf32> to vector<1x256xf32>
    %stack3A_86 = vector.shape_cast %broadcast_in_dim3A_75 : vector<256xf32> to vector<1x256xf32>
    %stack3A_87 = vector.shape_cast %broadcast_in_dim3A_75 : vector<256xf32> to vector<1x256xf32>
    %stack3A_88 = vector.shape_cast %broadcast_in_dim3A_75 : vector<256xf32> to vector<1x256xf32>
    %stack3A_89 = tpu.concatenate %stack3A, %stack3A_82, %stack3A_83, %stack3A_84, %stack3A_85, %stack3A_86, %stack3A_87, %stack3A_88 in 0 : vector<1x256xf32>, vector<1x256xf32>, vector<1x256xf32>, vector<1x256xf32>, vector<1x256xf32>, vector<1x256xf32>, vector<1x256xf32>, vector<1x256xf32> -> vector<8x256xf32>
    %add3A = arith.addf %get3A_81, %stack3A_89 : vector<8x256xf32>
    %swap3A_90 = arith.constant 0 : index
    %swap3A_91 = arith.constant 0 : index
    %swap3A_92 = vector.load %arg5[%swap3A_90, %swap3A_91] : memref<8x256xf32, #tpu.memory_space<vmem>>, vector<8x256xf32>
    tpu.vector_store %arg5[%swap3A_90, %swap3A_91], %add3A {strides = array<i32>} : memref<8x256xf32, #tpu.memory_space<vmem>>, vector<8x256xf32>,
    return
  }
  func.func @transform_0(%arg0: i32) -> (i32, i32) {
    %c0_i32 = arith.constant 0 : i32
    %c0_i32_0 = arith.constant 0 : i32
    return %arg0, %c0_i32 : i32, i32
  }
  func.func @transform_1(%arg0: i32) -> (i32, i32) {
    %c0_i32 = arith.constant 0 : i32
    %c0_i32_0 = arith.constant 0 : i32
    return %arg0, %c0_i32 : i32, i32
  }
  func.func @transform_2(%arg0: i32) -> (i32, i32) {
    %c0_i32 = arith.constant 0 : i32
    %c0_i32_0 = arith.constant 0 : i32
    %c0_i32_1 = arith.constant 0 : i32
    return %c0_i32, %c0_i32_0 : i32, i32
  }
  func.func @transform_3(%arg0: i32) -> (i32, i32) {
    %c0_i32 = arith.constant 0 : i32
    %c0_i32_0 = arith.constant 0 : i32
    return %arg0, %c0_i32 : i32, i32
  }
  func.func @transform_4(%arg0: i32) -> (i32, i32) {
    %c0_i32 = arith.constant 0 : i32
    %c0_i32_0 = arith.constant 0 : i32
    %c0_i32_1 = arith.constant 0 : i32
    return %c0_i32, %c0_i32_0 : i32, i32
  }
}

module attributes {stable_mosaic.version = 14 : i64} {
  func.func @_apply_body(%arg0: i32, %arg1: i32, %arg2: memref<1x1024x256xf32, #tpu.memory_space<vmem>>, %arg3: memref<1x256xf32, #tpu.memory_space<vmem>>, %arg4: memref<1x256xf32, #tpu.memory_space<vmem>>, %arg5: memref<1x256xf32, #tpu.memory_space<vmem>>, %arg6: memref<1x256xf32, #tpu.memory_space<vmem>>, %arg7: memref<1x1024x256xf32, #tpu.memory_space<vmem>>, %arg8: memref<1x1x256xf32, #tpu.memory_space<vmem>>, %arg9: memref<1x1x256xf32, #tpu.memory_space<vmem>>) attributes {dimension_semantics = [#tpu.dimension_semantics<arbitrary>, #tpu.dimension_semantics<arbitrary>], iteration_bounds = array<i64: 8, 2>, scalar_prefetch = 0 : i64, scratch_operands = 0 : i64, tpu.core_type = #tpu.core_type<tc>, window_params = [{transform_indices = @transform_0, window_bounds = array<i64: 1, 1024, 256>}, {pipeline_mode = #tpu.pipeline_mode<synchronous>, transform_indices = @transform_1, window_bounds = array<i64: 1, 256>}, {pipeline_mode = #tpu.pipeline_mode<synchronous>, transform_indices = @transform_2, window_bounds = array<i64: 1, 256>}, {pipeline_mode = #tpu.pipeline_mode<synchronous>, transform_indices = @transform_3, window_bounds = array<i64: 1, 256>}, {pipeline_mode = #tpu.pipeline_mode<synchronous>, transform_indices = @transform_4, window_bounds = array<i64: 1, 256>}, {transform_indices = @transform_5, window_bounds = array<i64: 1, 1024, 256>}, {transform_indices = @transform_6, window_bounds = array<i64: 1, 1, 256>}, {transform_indices = @transform_7, window_bounds = array<i64: 1, 1, 256>}]} {
    %get3A = arith.constant 0 : index
    %get3A_0 = arith.constant 0 : index
    %get3A_1 = arith.constant 0 : index
    %get3A_2 = vector.load %arg2[%get3A, %get3A_0, %get3A_1] : memref<1x1024x256xf32, #tpu.memory_space<vmem>>, vector<1x1024x256xf32>
    %get3A_3 = vector.shape_cast %get3A_2 : vector<1x1024x256xf32> to vector<1024x256xf32>
    %get3A_4 = arith.constant 0 : index
    %get3A_5 = arith.constant 0 : index
    %get3A_6 = vector.load %arg3[%get3A_4, %get3A_5] : memref<1x256xf32, #tpu.memory_space<vmem>>, vector<1x256xf32>
    %sub3A = vector.broadcast %get3A_6 : vector<1x256xf32> to vector<1024x256xf32>
    %sub3A_7 = arith.subf %get3A_3, %sub3A : vector<1024x256xf32>
    %get3A_8 = arith.constant 0 : index
    %get3A_9 = arith.constant 0 : index
    %get3A_10 = vector.load %arg4[%get3A_8, %get3A_9] : memref<1x256xf32, #tpu.memory_space<vmem>>, vector<1x256xf32>
    %add3A = arith.constant 9.99999974E-6 : f32
    %add3A_11 = vector.broadcast %add3A : f32 to vector<1x256xf32>
    %add3A_12 = arith.addf %get3A_10, %add3A_11 : vector<1x256xf32>
    %sqrt3A = math.sqrt %add3A_12 : vector<1x256xf32>
    %div3A = vector.broadcast %sqrt3A : vector<1x256xf32> to vector<1024x256xf32>
    %div3A_13 = arith.divf %sub3A_7, %div3A : vector<1024x256xf32>
    %get3A_14 = arith.constant 0 : index
    %get3A_15 = arith.constant 0 : index
    %get3A_16 = vector.load %arg5[%get3A_14, %get3A_15] : memref<1x256xf32, #tpu.memory_space<vmem>>, vector<1x256xf32>
    %mul3A = vector.broadcast %get3A_16 : vector<1x256xf32> to vector<1024x256xf32>
    %mul3A_17 = arith.mulf %div3A_13, %mul3A : vector<1024x256xf32>
    %get3A_18 = arith.constant 0 : index
    %get3A_19 = arith.constant 0 : index
    %get3A_20 = vector.load %arg6[%get3A_18, %get3A_19] : memref<1x256xf32, #tpu.memory_space<vmem>>, vector<1x256xf32>
    %add3A_21 = vector.broadcast %get3A_20 : vector<1x256xf32> to vector<1024x256xf32>
    %add3A_22 = arith.addf %mul3A_17, %add3A_21 : vector<1024x256xf32>
    %max3A = arith.constant 0.000000e+00 : f32
    %max3A_23 = vector.broadcast %max3A : f32 to vector<1024x256xf32>
    %max3A_24 = arith.maximumf %add3A_22, %max3A_23 : vector<1024x256xf32>
    %swap3A = arith.constant 0 : index
    %swap3A_25 = arith.constant 0 : index
    %swap3A_26 = arith.constant 0 : index
    %swap3A_27 = vector.load %arg7[%swap3A, %swap3A_25, %swap3A_26] : memref<1x1024x256xf32, #tpu.memory_space<vmem>>, vector<1x1024x256xf32>
    %swap3A_28 = vector.shape_cast %swap3A_27 : vector<1x1024x256xf32> to vector<1024x256xf32>
    %swap3A_29 = vector.shape_cast %max3A_24 : vector<1024x256xf32> to vector<1x1024x256xf32>
    tpu.vector_store %arg7[%swap3A, %swap3A_25, %swap3A_26], %swap3A_29 {strides = array<i32>} : memref<1x1024x256xf32, #tpu.memory_space<vmem>>, vector<1x1024x256xf32>,
    %reduce_max3A = arith.constant dense<0xFF800000> : vector<256xf32>
    %reduce_max3A_30 = vector.multi_reduction <maximumf>, %max3A_24, %reduce_max3A [0] : vector<1024x256xf32> to vector<256xf32>
    %broadcast_in_dim3A = vector.shape_cast %reduce_max3A_30 : vector<256xf32> to vector<1x256xf32>
    %reduce_sum3A = arith.constant dense<0.000000e+00> : vector<256xf32>
    %reduce_sum3A_31 = vector.multi_reduction <add>, %max3A_24, %reduce_sum3A [0] : vector<1024x256xf32> to vector<256xf32>
    %broadcast_in_dim3A_32 = vector.shape_cast %reduce_sum3A_31 : vector<256xf32> to vector<1x256xf32>
    %eq3A = arith.constant 0 : i32
    %eq3A_33 = arith.cmpi eq, %arg1, %eq3A : i32
    %convert_element_type3A = arith.extui %eq3A_33 : i1 to i32
    %cond3A = arith.constant 0 : i32
    %cond3A_34 = arith.cmpi ne, %convert_element_type3A, %cond3A : i32
    scf.if %cond3A_34 {
      %swap3A_39 = arith.constant 0 : index
      %swap3A_40 = arith.constant 0 : index
      %swap3A_41 = arith.constant 0 : index
      %swap3A_42 = vector.load %arg8[%swap3A_39, %swap3A_40, %swap3A_41] : memref<1x1x256xf32, #tpu.memory_space<vmem>>, vector<1x1x256xf32>
      %swap3A_43 = vector.shape_cast %swap3A_42 : vector<1x1x256xf32> to vector<1x256xf32>
      %swap3A_44 = vector.shape_cast %broadcast_in_dim3A : vector<1x256xf32> to vector<1x1x256xf32>
      tpu.vector_store %arg8[%swap3A_39, %swap3A_40, %swap3A_41], %swap3A_44 {strides = array<i32>} : memref<1x1x256xf32, #tpu.memory_space<vmem>>, vector<1x1x256xf32>,
      %swap3A_45 = arith.constant 0 : index
      %swap3A_46 = arith.constant 0 : index
      %swap3A_47 = arith.constant 0 : index
      %swap3A_48 = vector.load %arg9[%swap3A_45, %swap3A_46, %swap3A_47] : memref<1x1x256xf32, #tpu.memory_space<vmem>>, vector<1x1x256xf32>
      %swap3A_49 = vector.shape_cast %swap3A_48 : vector<1x1x256xf32> to vector<1x256xf32>
      %swap3A_50 = vector.shape_cast %broadcast_in_dim3A_32 : vector<1x256xf32> to vector<1x1x256xf32>
      tpu.vector_store %arg9[%swap3A_45, %swap3A_46, %swap3A_47], %swap3A_50 {strides = array<i32>} : memref<1x1x256xf32, #tpu.memory_space<vmem>>, vector<1x1x256xf32>,
    } else {
    }
    %gt3A = arith.constant 0 : i32
    %gt3A_35 = arith.cmpi sgt, %arg1, %gt3A : i32
    %convert_element_type3A_36 = arith.extui %gt3A_35 : i1 to i32
    %cond3A_37 = arith.constant 0 : i32
    %cond3A_38 = arith.cmpi ne, %convert_element_type3A_36, %cond3A_37 : i32
    scf.if %cond3A_38 {
      %get3A_39 = arith.constant 0 : index
      %get3A_40 = arith.constant 0 : index
      %get3A_41 = arith.constant 0 : index
      %get3A_42 = vector.load %arg8[%get3A_39, %get3A_40, %get3A_41] : memref<1x1x256xf32, #tpu.memory_space<vmem>>, vector<1x1x256xf32>
      %get3A_43 = vector.shape_cast %get3A_42 : vector<1x1x256xf32> to vector<1x256xf32>
      %max3A_44 = arith.maximumf %get3A_43, %broadcast_in_dim3A : vector<1x256xf32>
      %swap3A_45 = arith.constant 0 : index
      %swap3A_46 = arith.constant 0 : index
      %swap3A_47 = arith.constant 0 : index
      %swap3A_48 = vector.load %arg8[%swap3A_45, %swap3A_46, %swap3A_47] : memref<1x1x256xf32, #tpu.memory_space<vmem>>, vector<1x1x256xf32>
      %swap3A_49 = vector.shape_cast %swap3A_48 : vector<1x1x256xf32> to vector<1x256xf32>
      %swap3A_50 = vector.shape_cast %max3A_44 : vector<1x256xf32> to vector<1x1x256xf32>
      tpu.vector_store %arg8[%swap3A_45, %swap3A_46, %swap3A_47], %swap3A_50 {strides = array<i32>} : memref<1x1x256xf32, #tpu.memory_space<vmem>>, vector<1x1x256xf32>,
      %get3A_51 = arith.constant 0 : index
      %get3A_52 = arith.constant 0 : index
      %get3A_53 = arith.constant 0 : index
      %get3A_54 = vector.load %arg9[%get3A_51, %get3A_52, %get3A_53] : memref<1x1x256xf32, #tpu.memory_space<vmem>>, vector<1x1x256xf32>
      %get3A_55 = vector.shape_cast %get3A_54 : vector<1x1x256xf32> to vector<1x256xf32>
      %add3A_56 = arith.addf %get3A_55, %broadcast_in_dim3A_32 : vector<1x256xf32>
      %swap3A_57 = arith.constant 0 : index
      %swap3A_58 = arith.constant 0 : index
      %swap3A_59 = arith.constant 0 : index
      %swap3A_60 = vector.load %arg9[%swap3A_57, %swap3A_58, %swap3A_59] : memref<1x1x256xf32, #tpu.memory_space<vmem>>, vector<1x1x256xf32>
      %swap3A_61 = vector.shape_cast %swap3A_60 : vector<1x1x256xf32> to vector<1x256xf32>
      %swap3A_62 = vector.shape_cast %add3A_56 : vector<1x256xf32> to vector<1x1x256xf32>
      tpu.vector_store %arg9[%swap3A_57, %swap3A_58, %swap3A_59], %swap3A_62 {strides = array<i32>} : memref<1x1x256xf32, #tpu.memory_space<vmem>>, vector<1x1x256xf32>,
    } else {
    }
    return
  }
  func.func @transform_0(%arg0: i32, %arg1: i32) -> (i32, i32, i32) {
    %c0_i32 = arith.constant 0 : i32
    %c0_i32_0 = arith.constant 0 : i32
    return %arg0, %arg1, %c0_i32 : i32, i32, i32
  }
  func.func @transform_1(%arg0: i32, %arg1: i32) -> (i32, i32) {
    %c0_i32 = arith.constant 0 : i32
    %c0_i32_0 = arith.constant 0 : i32
    %c0_i32_1 = arith.constant 0 : i32
    return %c0_i32, %c0_i32_0 : i32, i32
  }
  func.func @transform_2(%arg0: i32, %arg1: i32) -> (i32, i32) {
    %c0_i32 = arith.constant 0 : i32
    %c0_i32_0 = arith.constant 0 : i32
    %c0_i32_1 = arith.constant 0 : i32
    return %c0_i32, %c0_i32_0 : i32, i32
  }
  func.func @transform_3(%arg0: i32, %arg1: i32) -> (i32, i32) {
    %c0_i32 = arith.constant 0 : i32
    %c0_i32_0 = arith.constant 0 : i32
    %c0_i32_1 = arith.constant 0 : i32
    return %c0_i32, %c0_i32_0 : i32, i32
  }
  func.func @transform_4(%arg0: i32, %arg1: i32) -> (i32, i32) {
    %c0_i32 = arith.constant 0 : i32
    %c0_i32_0 = arith.constant 0 : i32
    %c0_i32_1 = arith.constant 0 : i32
    return %c0_i32, %c0_i32_0 : i32, i32
  }
  func.func @transform_5(%arg0: i32, %arg1: i32) -> (i32, i32, i32) {
    %c0_i32 = arith.constant 0 : i32
    %c0_i32_0 = arith.constant 0 : i32
    return %arg0, %arg1, %c0_i32 : i32, i32, i32
  }
  func.func @transform_6(%arg0: i32, %arg1: i32) -> (i32, i32, i32) {
    %c0_i32 = arith.constant 0 : i32
    %c0_i32_0 = arith.constant 0 : i32
    %c0_i32_1 = arith.constant 0 : i32
    return %arg0, %c0_i32, %c0_i32_0 : i32, i32, i32
  }
  func.func @transform_7(%arg0: i32, %arg1: i32) -> (i32, i32, i32) {
    %c0_i32 = arith.constant 0 : i32
    %c0_i32_0 = arith.constant 0 : i32
    %c0_i32_1 = arith.constant 0 : i32
    return %arg0, %c0_i32, %c0_i32_0 : i32, i32, i32
  }
}

module attributes {stable_mosaic.version = 14 : i64} {
  func.func @_final_body(%arg0: memref<8x512xf32, #tpu.memory_space<vmem>>, %arg1: memref<8x512xf32, #tpu.memory_space<vmem>>, %arg2: memref<512x1024xbf16, #tpu.memory_space<vmem>>, %arg3: memref<1x512xf32, #tpu.memory_space<vmem>>, %arg4: memref<1x512xf32, #tpu.memory_space<vmem>>, %arg5: memref<1x512xf32, #tpu.memory_space<vmem>>, %arg6: memref<256x512xbf16, #tpu.memory_space<vmem>>, %arg7: memref<1x256xf32, #tpu.memory_space<vmem>>, %arg8: memref<1x256xf32, #tpu.memory_space<vmem>>, %arg9: memref<1x256xf32, #tpu.memory_space<vmem>>, %arg10: memref<8x256xf32, #tpu.memory_space<vmem>>) attributes {dimension_semantics = [], scalar_prefetch = 0 : i64, scratch_operands = 0 : i64, tpu.core_type = #tpu.core_type<tc>} {
    %get3A = arith.constant 0 : index
    %get3A_0 = arith.constant 0 : index
    %get3A_1 = vector.load %arg0[%get3A, %get3A_0] : memref<8x512xf32, #tpu.memory_space<vmem>>, vector<8x512xf32>
    %get3A_2 = arith.constant 0 : index
    %get3A_3 = arith.constant 0 : index
    %get3A_4 = vector.load %arg1[%get3A_2, %get3A_3] : memref<8x512xf32, #tpu.memory_space<vmem>>, vector<8x512xf32>
    %mul3A = arith.constant 4.8828125E-4 : f32
    %mul3A_5 = vector.broadcast %mul3A : f32 to vector<8x512xf32>
    %mul3A_6 = arith.mulf %get3A_4, %mul3A_5 : vector<8x512xf32>
    %concatenate3A = tpu.concatenate %get3A_1, %mul3A_6 in 1 : vector<8x512xf32>, vector<8x512xf32> -> vector<8x1024xf32>
    %convert_element_type3A = arith.truncf %concatenate3A : vector<8x1024xf32> to vector<8x1024xbf16>
    %get3A_7 = arith.constant 0 : index
    %get3A_8 = arith.constant 0 : index
    %get3A_9 = vector.load %arg2[%get3A_7, %get3A_8] : memref<512x1024xbf16, #tpu.memory_space<vmem>>, vector<512x1024xbf16>
    %dot_general3A = arith.constant dense<0.000000e+00> : vector<8x512xf32>
    %dot_general3A_10 = tpu.matmul %convert_element_type3A, %get3A_9, %dot_general3A {dimension_numbers = #tpu.dot_dimension_numbers<[1], [1], [0], [0], [0, 0, 1, 0], [], []>, transpose_lhs_hint = false} : vector<8x1024xbf16>, vector<512x1024xbf16>, vector<8x512xf32> -> vector<8x512xf32>
    %get3A_11 = arith.constant 0 : index
    %get3A_12 = arith.constant 0 : index
    %get3A_13 = vector.load %arg3[%get3A_11, %get3A_12] : memref<1x512xf32, #tpu.memory_space<vmem>>, vector<1x512xf32>
    %add3A = vector.broadcast %get3A_13 : vector<1x512xf32> to vector<8x512xf32>
    %add3A_14 = arith.addf %dot_general3A_10, %add3A : vector<8x512xf32>
    %reduce_sum3A = arith.constant dense<0.000000e+00> : vector<8xf32>
    %reduce_sum3A_15 = vector.multi_reduction <add>, %add3A_14, %reduce_sum3A [1] : vector<8x512xf32> to vector<8xf32>
    %broadcast_in_dim3A = vector.shape_cast %reduce_sum3A_15 : vector<8xf32> to vector<8x1xf32>
    %div3A = arith.constant 5.120000e+02 : f32
    %div3A_16 = vector.broadcast %div3A : f32 to vector<8x1xf32>
    %div3A_17 = arith.divf %broadcast_in_dim3A, %div3A_16 : vector<8x1xf32>
    %sub3A = vector.broadcast %div3A_17 : vector<8x1xf32> to vector<8x512xf32>
    %sub3A_18 = arith.subf %add3A_14, %sub3A : vector<8x512xf32>
    %integer_pow3A = arith.mulf %sub3A_18, %sub3A_18 : vector<8x512xf32>
    %reduce_sum3A_19 = arith.constant dense<0.000000e+00> : vector<8xf32>
    %reduce_sum3A_20 = vector.multi_reduction <add>, %integer_pow3A, %reduce_sum3A_19 [1] : vector<8x512xf32> to vector<8xf32>
    %broadcast_in_dim3A_21 = vector.shape_cast %reduce_sum3A_20 : vector<8xf32> to vector<8x1xf32>
    %div3A_22 = arith.constant 5.120000e+02 : f32
    %div3A_23 = vector.broadcast %div3A_22 : f32 to vector<8x1xf32>
    %div3A_24 = arith.divf %broadcast_in_dim3A_21, %div3A_23 : vector<8x1xf32>
    %sub3A_25 = vector.broadcast %div3A_17 : vector<8x1xf32> to vector<8x512xf32>
    %sub3A_26 = arith.subf %add3A_14, %sub3A_25 : vector<8x512xf32>
    %add3A_27 = arith.constant 9.99999974E-6 : f32
    %add3A_28 = vector.broadcast %add3A_27 : f32 to vector<8x1xf32>
    %add3A_29 = arith.addf %div3A_24, %add3A_28 : vector<8x1xf32>
    %sqrt3A = math.sqrt %add3A_29 : vector<8x1xf32>
    %div3A_30 = vector.broadcast %sqrt3A : vector<8x1xf32> to vector<8x512xf32>
    %div3A_31 = arith.divf %sub3A_26, %div3A_30 : vector<8x512xf32>
    %get3A_32 = arith.constant 0 : index
    %get3A_33 = arith.constant 0 : index
    %get3A_34 = vector.load %arg4[%get3A_32, %get3A_33] : memref<1x512xf32, #tpu.memory_space<vmem>>, vector<1x512xf32>
    %mul3A_35 = vector.broadcast %get3A_34 : vector<1x512xf32> to vector<8x512xf32>
    %mul3A_36 = arith.mulf %div3A_31, %mul3A_35 : vector<8x512xf32>
    %get3A_37 = arith.constant 0 : index
    %get3A_38 = arith.constant 0 : index
    %get3A_39 = vector.load %arg5[%get3A_37, %get3A_38] : memref<1x512xf32, #tpu.memory_space<vmem>>, vector<1x512xf32>
    %add3A_40 = vector.broadcast %get3A_39 : vector<1x512xf32> to vector<8x512xf32>
    %add3A_41 = arith.addf %mul3A_36, %add3A_40 : vector<8x512xf32>
    %max3A = arith.constant 0.000000e+00 : f32
    %max3A_42 = vector.broadcast %max3A : f32 to vector<8x512xf32>
    %max3A_43 = arith.maximumf %add3A_41, %max3A_42 : vector<8x512xf32>
    %convert_element_type3A_44 = arith.truncf %max3A_43 : vector<8x512xf32> to vector<8x512xbf16>
    %get3A_45 = arith.constant 0 : index
    %get3A_46 = arith.constant 0 : index
    %get3A_47 = vector.load %arg6[%get3A_45, %get3A_46] : memref<256x512xbf16, #tpu.memory_space<vmem>>, vector<256x512xbf16>
    %dot_general3A_48 = arith.constant dense<0.000000e+00> : vector<8x256xf32>
    %dot_general3A_49 = tpu.matmul %convert_element_type3A_44, %get3A_47, %dot_general3A_48 {dimension_numbers = #tpu.dot_dimension_numbers<[1], [1], [0], [0], [0, 0, 1, 0], [], []>, transpose_lhs_hint = false} : vector<8x512xbf16>, vector<256x512xbf16>, vector<8x256xf32> -> vector<8x256xf32>
    %get3A_50 = arith.constant 0 : index
    %get3A_51 = arith.constant 0 : index
    %get3A_52 = vector.load %arg7[%get3A_50, %get3A_51] : memref<1x256xf32, #tpu.memory_space<vmem>>, vector<1x256xf32>
    %add3A_53 = vector.broadcast %get3A_52 : vector<1x256xf32> to vector<8x256xf32>
    %add3A_54 = arith.addf %dot_general3A_49, %add3A_53 : vector<8x256xf32>
    %reduce_sum3A_55 = arith.constant dense<0.000000e+00> : vector<8xf32>
    %reduce_sum3A_56 = vector.multi_reduction <add>, %add3A_54, %reduce_sum3A_55 [1] : vector<8x256xf32> to vector<8xf32>
    %broadcast_in_dim3A_57 = vector.shape_cast %reduce_sum3A_56 : vector<8xf32> to vector<8x1xf32>
    %div3A_58 = arith.constant 2.560000e+02 : f32
    %div3A_59 = vector.broadcast %div3A_58 : f32 to vector<8x1xf32>
    %div3A_60 = arith.divf %broadcast_in_dim3A_57, %div3A_59 : vector<8x1xf32>
    %sub3A_61 = vector.broadcast %div3A_60 : vector<8x1xf32> to vector<8x256xf32>
    %sub3A_62 = arith.subf %add3A_54, %sub3A_61 : vector<8x256xf32>
    %integer_pow3A_63 = arith.mulf %sub3A_62, %sub3A_62 : vector<8x256xf32>
    %reduce_sum3A_64 = arith.constant dense<0.000000e+00> : vector<8xf32>
    %reduce_sum3A_65 = vector.multi_reduction <add>, %integer_pow3A_63, %reduce_sum3A_64 [1] : vector<8x256xf32> to vector<8xf32>
    %broadcast_in_dim3A_66 = vector.shape_cast %reduce_sum3A_65 : vector<8xf32> to vector<8x1xf32>
    %div3A_67 = arith.constant 2.560000e+02 : f32
    %div3A_68 = vector.broadcast %div3A_67 : f32 to vector<8x1xf32>
    %div3A_69 = arith.divf %broadcast_in_dim3A_66, %div3A_68 : vector<8x1xf32>
    %sub3A_70 = vector.broadcast %div3A_60 : vector<8x1xf32> to vector<8x256xf32>
    %sub3A_71 = arith.subf %add3A_54, %sub3A_70 : vector<8x256xf32>
    %add3A_72 = arith.constant 9.99999974E-6 : f32
    %add3A_73 = vector.broadcast %add3A_72 : f32 to vector<8x1xf32>
    %add3A_74 = arith.addf %div3A_69, %add3A_73 : vector<8x1xf32>
    %sqrt3A_75 = math.sqrt %add3A_74 : vector<8x1xf32>
    %div3A_76 = vector.broadcast %sqrt3A_75 : vector<8x1xf32> to vector<8x256xf32>
    %div3A_77 = arith.divf %sub3A_71, %div3A_76 : vector<8x256xf32>
    %get3A_78 = arith.constant 0 : index
    %get3A_79 = arith.constant 0 : index
    %get3A_80 = vector.load %arg8[%get3A_78, %get3A_79] : memref<1x256xf32, #tpu.memory_space<vmem>>, vector<1x256xf32>
    %mul3A_81 = vector.broadcast %get3A_80 : vector<1x256xf32> to vector<8x256xf32>
    %mul3A_82 = arith.mulf %div3A_77, %mul3A_81 : vector<8x256xf32>
    %get3A_83 = arith.constant 0 : index
    %get3A_84 = arith.constant 0 : index
    %get3A_85 = vector.load %arg9[%get3A_83, %get3A_84] : memref<1x256xf32, #tpu.memory_space<vmem>>, vector<1x256xf32>
    %add3A_86 = vector.broadcast %get3A_85 : vector<1x256xf32> to vector<8x256xf32>
    %add3A_87 = arith.addf %mul3A_82, %add3A_86 : vector<8x256xf32>
    %swap3A = arith.constant 0 : index
    %swap3A_88 = arith.constant 0 : index
    %swap3A_89 = vector.load %arg10[%swap3A, %swap3A_88] : memref<8x256xf32, #tpu.memory_space<vmem>>, vector<8x256xf32>
    tpu.vector_store %arg10[%swap3A, %swap3A_88], %add3A_87 {strides = array<i32>} : memref<8x256xf32, #tpu.memory_space<vmem>>, vector<8x256xf32>,
    return
  }
}

</mosaic_0001>

<sc_bundles>
// kernel: kernel.19.cloned.1.call-start
scs
__scs_entry_jumppad:
0x0: {  	(pc) =	sbr.rel $0x88, $3  }
0x1: {  	(tag) =	ssettag $0x0;
	lr =	simm.s32 $0x1  }
0x2: {  	[smem:$0x3F8C] =	sst lr;
	_ =	strace $0xD0000000  }
0x3: {  	_ = 	snop  }
0x4: {  	_ = 	snop  }
0x5: {  	_ = 	snop  }
0x6: {  	_ = 	snop  }
0x7: {  	_ = 	snop  }
__scs_overlays_trampoline_lowered:
0x8: {  	[smem:$0x3F9B] =	sst s0  }
0x9: {  	[smem:$0x3F9C] =	sst s1  }
0xa: {  	[smem:$0x3F9D] =	sst s2  }
0xb: {  	[smem:$0x3F9E] =	sst s3  }
0xc: {  	[smem:$0x3F9F] =	sst s4  }
0xd: {  	[smem:$0x3FA0] =	sst s5  }
0xe: {  	[smem:$0x3FA1] =	sst s6  }
0xf: {  	[smem:$0x3FA2] =	sst s7  }
0x10: {  	[smem:$0x3FA3] =	sst s8  }
0x11: {  	[smem:$0x3FA4] =	sst s9;
	s0 =	simm.s32 @!p0 $0x0  }
0x12: {  	s1 =	sld [smem:$0x3F8A];
	s0 =	simm.s32 @p0 $0x1  }
0x13: {  	[smem:$0x3FA5] =	sst s0;
	s0 =	simm.s32 @!p1 $0x0  }
0x14: {  	s2 =	sld [smem:$0x3F89];
	s0 =	simm.s32 @p1 $0x1  }
0x15: {  	[smem:$0x3FA6] =	sst s0;
	s0 =	simm.s32 @!p2 $0x0  }
0x16: {  	s3 =	sld [smem:$0x3FDB];
	s0 =	simm.s32 @p2 $0x1  }
0x17: {  	s4 =	simm.s32 $0x1BF5;
	[smem:$0x3FA8] =	sst s0  }
0x18: {  	s0 =	sld [smem:$0x3F8B];
	_ =	swait.ge [sflag:s4], $0x0  }
0x19: {  	s7 =	sld [smem:$0x3F8C]  }
0x1a: {  	s8 =	sadd.s32 $0xFFFFE003, lr  }
0x1b: {  	s9 =	sadd.s32 $0xFFFFFEF7, lr;
	s5 =	simm.s32 $0xFFFFFFFF;
	p2 =	slt.u32 s8, $0xFFFFF086  }
0x1c: {  	p1 =	slt.u32 s9, $0xF7A;
	s5 =	simm.s32 @!p2 $0x0  }
0x1d: {  	s5 =	simm.s32 @p1 $0x1;
	p0 =	seq.s32 s7, s2  }
0x1e: {  	s7 =	smul.u32 @!p0 $0xF7A, s2;
	p2 =	seq.s32 @!p0 s5, $0x0  }
0x1f: {  	s9 =	smul.u32 $0xF7A, s1;
	s8 =	simm.s32 @!p0 $0x1BF5;
	p2 =	por !p2, p0  }
0x20: {  	[sflag:s8] =	ssyncset.s32 @!p0 $0xFFFFF086;
	s6 =	sadd.s32 @!p0 s3, s7;
	s7 =	simm.s32 @!p0 $0x108  }
0x21: {  	s3 =	sadd.s32 s3, s9;
	s6 =	sadd.s32 @!p0 $0x88, s6;
	s7 =	simm.s32 @p2 $0x1082  }
0x22: {  	[simem:s7], [sflag:s8] =	dma.local @!p0 [hbm:s6], $0xF7A  }
0x23: {  	s9 =	sor.u32 $0xD0000000, s2;
	s6 =	simm.s32 $0x108;
	_ =	swait.ge @!p0 [sflag:s8], $0x0  }
0x24: {  	s3 =	sadd.s32 $0x88, s3;
	s6 =	simm.s32 @!p1 $0x1082;
	[sflag:s4] =	ssyncset.s32 $0xFFFFF086  }
0x25: {  	[simem:s6], [sflag:s4] =	dma.local [hbm:s3], $0xF7A  }
0x26: {  	[smem:$0x3F8C] =	sst s1;
	(tag) =	ssettag s2;
	_ =	strace s9  }
0x27: {  	s1 =	sld [smem:$0x3F9C]  }
0x28: {  	s2 =	sld [smem:$0x3F9D]  }
0x29: {  	s4 =	sld [smem:$0x3F9F]  }
0x2a: {  	p0 =	seq.s32 s5, $0x0;
	s5 =	sld [smem:$0x3FA0]  }
0x2b: {  	s6 =	sld [smem:$0x3FA1]  }
0x2c: {  	s7 =	sld [smem:$0x3FA2]  }
0x2d: {  	s3 =	simm.s32 $0x108;
	s8 =	sld [smem:$0x3FA3]  }
0x2e: {  	s3 =	simm.s32 @!p0 $0x1082;
	s9 =	sld [smem:$0x3FA4]  }
0x2f: {  	lr =	sadd.s32 s0, s3;
	s0 =	sld [smem:$0x3F9B]  }
0x30: {  	s3 =	sld [smem:$0x3F9E]  }
0x31: {  	[smem:$0x3FA7] =	sst s10  }
0x32: {  	s10 =	sld [smem:$0x3FA5];
	_ =	sdelay $0x3  }
0x33: {  	p0 =	seq.s32 s10, $0x1;
	s10 =	sld [smem:$0x3FA7];
	_ =	sdelay $0x3  }
0x34: {  	[smem:$0x3FA7] =	sst s10  }
0x35: {  	s10 =	sld [smem:$0x3FA6];
	_ =	sdelay $0x3  }
0x36: {  	p1 =	seq.s32 s10, $0x1;
	s10 =	sld [smem:$0x3FA7];
	_ =	sdelay $0x3  }
0x37: {  	[smem:$0x3FA7] =	sst s10  }
0x38: {  	s10 =	sld [smem:$0x3FA8]  }
0x39: {  	_ = 	snop;
	(pc) =	sbr.ind lr, $3  }
0x3a: {  	_ = 	snop  }
0x3b: {  	_ = 	snop  }
0x3c: {  	p2 =	seq.s32 s10, $0x1;
	s10 =	sld [smem:$0x3FA7]  }
0x3d: {  	_ =	shalt  }
0x3e: {  	_ =	shalt  }
0x3f: {  	_ =	shalt  }
0x40: {  	_ =	shalt  }
0x41: {  	_ =	shalt  }
0x42: {  	_ =	shalt  }
0x43: {  	_ =	shalt  }
0x44: {  	_ =	shalt  }
0x45: {  	_ =	shalt  }
0x46: {  	_ =	shalt  }
0x47: {  	_ =	shalt  }
0x48: {  	_ =	shalt  }
0x49: {  	_ =	shalt  }
0x4a: {  	_ =	shalt  }
0x4b: {  	_ =	shalt  }
0x4c: {  	_ =	shalt  }
0x4d: {  	_ =	shalt  }
0x4e: {  	_ =	shalt  }
0x4f: {  	_ =	shalt  }
0x50: {  	_ =	shalt  }
0x51: {  	_ =	shalt  }
0x52: {  	_ =	shalt  }
0x53: {  	_ =	shalt  }
0x54: {  	_ =	shalt  }
0x55: {  	_ =	shalt  }
0x56: {  	_ =	shalt  }
0x57: {  	_ =	shalt  }
0x58: {  	_ =	shalt  }
0x59: {  	_ =	shalt  }
0x5a: {  	_ =	shalt  }
0x5b: {  	_ =	shalt  }
0x5c: {  	_ =	shalt  }
0x5d: {  	_ =	shalt  }
0x5e: {  	_ =	shalt  }
0x5f: {  	_ =	shalt  }
0x60: {  	_ =	shalt  }
0x61: {  	_ =	shalt  }
0x62: {  	_ =	shalt  }
0x63: {  	_ =	shalt  }
0x64: {  	_ =	shalt  }
0x65: {  	_ =	shalt  }
0x66: {  	_ =	shalt  }
0x67: {  	_ =	shalt  }
0x68: {  	_ =	shalt  }
0x69: {  	_ =	shalt  }
0x6a: {  	_ =	shalt  }
0x6b: {  	_ =	shalt  }
0x6c: {  	_ =	shalt  }
0x6d: {  	_ =	shalt  }
0x6e: {  	_ =	shalt  }
0x6f: {  	_ =	shalt  }
0x70: {  	_ =	shalt  }
0x71: {  	_ =	shalt  }
0x72: {  	_ =	shalt  }
0x73: {  	_ =	shalt  }
0x74: {  	_ =	shalt  }
0x75: {  	_ =	shalt  }
0x76: {  	_ =	shalt  }
0x77: {  	_ =	shalt  }
0x78: {  	_ =	shalt  }
0x79: {  	_ =	shalt  }
0x7a: {  	_ =	shalt  }
0x7b: {  	_ =	shalt  }
0x7c: {  	_ =	shalt  }
0x7d: {  	_ =	shalt  }
0x7e: {  	_ =	shalt  }
0x7f: {  	_ =	shalt  }
0x80: {  	_ =	shalt  }
0x81: {  	_ =	shalt  }
0x82: {  	_ =	shalt  }
0x83: {  	_ =	shalt  }
0x84: {  	_ =	shalt  }
0x85: {  	_ =	shalt  }
0x86: {  	_ =	shalt  }
0x87: {  	_ =	shalt  }
.Lfunc_end0:
.L_simem_size_0:
called_computation_lowered:
.L_overlay_start_0:
0x88: {  	s2 =	sld [smem:$0x3FD9]  }
0x89: {  	s3 =	sld [smem:$0x3FFE];
	_ =	sdelay $0x1  }
0x8a: {  	s1 =	srdreg.scid  }
0x8b: {  	s0 =	sand.u32 $0x1, s1  }
0x8c: {  	s16 =	sshll.u32 s0, $0xA;
	s2 =	sadd.s32 s3, s2  }
0x8d: {  	s2 =	sadd.s32 s2, s16  }
0x8e: {  	[smem:$0x3FB3] =	sst s2  }
0x8f: {  	_ = 	snop  }
0x90: {  	(tm) =	ssettm $0x1  }
0x91: {  	s17 =	sld [smem:$0x3FFB];
	_ =	sdelay $0x3  }
0x92: {  	_ =	strace s17  }
0x93: {  	s2 =	sld [smem:$0x3FFC];
	_ =	sdelay $0x3  }
0x94: {  	_ =	strace s2  }
0x95: {  	s2 =	sld [smem:$0x3FFD];
	_ =	sdelay $0x3  }
0x96: {  	_ =	strace s2  }
0x97: {  	_ =	strace $0x8FFFFFFF  }
0x98: {  	s18 =	sld [smem:$0x3FDB];
	_ =	sdelay $0x1  }
0x99: {  	s19 =	simm.s32 $_scs_section_size  }
0x9a: {  	s4 =	simm.s32 $_size__tile_overlayer_lowered;
	s5 =	simm.s32 $_tile_overlayer_lowered  }
0x9b: {  	s22 =	simm.s32 $0x1BFF;
	s21 =	sshll.u32 s5, $0x1;
	s2 =	sadd.s32 s19, s18  }
0x9c: {  	s6 =	simm.s32 $0x0;
	s20 =	sshll.u32 s4, $0x1;
	s4 =	sadd.s32 s21, s2  }
0x9d: {  	[timem:s6], [sflag:s22] =	dma.local [hbm:s4], s20  }
0x9e: {  	_ =	swait.ge [sflag:s22], s20  }
0x9f: {  	s3 =	ssub.s32 $0x0, s20;
	[sflag:s22] =	ssyncset.done $0x0  }
0xa0: {  	[sflag:s22] =	ssyncadd.s32 s3;
	_ =	sdelay $0x1  }
0xa1: {  	s23 =	simm.s32 $0x1B8B  }
0xa2: {  	_ =	swait.ge [sflag:s23], $0x1  }
0xa3: {  	[sflag:s23] =	ssyncset.done $0x0  }
0xa4: {  	s25 =	simm.s32 $0x1B8E;
	s24 =	sld [smem:$0x3FFE];
	[sflag:s23] =	ssyncadd.s32 $0xFFFFFFFF  }
0xa5: {  	s26 =	simm.s32 $execute0_lowered;
	[smem:$0x3FD2] =	sst s25  }
0xa6: {  	s4 =	sshll.u32 s26, $0x1;
	_ =	strace $0x80000046;
	[dreg:$0x1] =	wrdreg $0xFFFFFFFF  }
0xa7: {  	s28 =	simm.s32 $_size_execute0_lowered;
	s2 =	sadd.s32 s2, s4;
	[dreg:$0x0] =	wrdreg $0x0  }
0xa8: {  	s4 =	sshll.u32 s28, $0x1;
	[dreg:$0x2] =	wrdreg s2  }
0xa9: {  	[dreg:$0x3] =	wrdreg s4  }
0xaa: {  	[dreg:$0x4] =	wrdreg $0xC0  }
0xab: {  	_ =	task [dreg:s6], $0x5FFFF  }
0xac: {  	[dreg:$0x1] =	wrdreg $0xFFFFFFFF  }
0xad: {  	[dreg:$0x0] =	wrdreg $0x60  }
0xae: {  	[dreg:$0x2] =	wrdreg s24  }
0xaf: {  	[dreg:$0x3] =	wrdreg $0x9  }
0xb0: {  	_ =	task.clear_ibuf [dreg:s6], $0x4FFFF;
	_ =	strace $0x90000046  }
0xb1: {  	s29 =	simm.s32 $0x9;
	_ =	strace $0x80000048  }
0xb2: {  	_ =	swait.ge [sflag:s29], $0x1  }
0xb3: {  	[sflag:s29] =	ssyncadd.s32 $0xFFFFFFFF  }
0xb4: {  	_ =	strace $0x90000048  }
0xb5: {  	_ =	sfence  }
0xb6: {  	s30 =	sld [smem:$0x0];
	_ =	sdelay $0x2  }
0xb7: {  	s31 =	sshll.u32 s1, $0xD;
	s1 =	sshrl.u32 s1, $0x2  }
0xb8: {  	s3 =	sand.u32 $0x4000, s31;
	s1 =	sadd.s32 s1, s30  }
0xb9: {  	s0 =	sor.u32 s3, s0;
	s1 =	sshll.u32 s1, $0x11  }
0xba: {  	s0 =	sor.u32 s1, s0  }
0xbb: {  	s0 =	sadd.s32 $0x8F2B, s0  }
0xbc: {  	[sflag:s0] =	ssyncadd.remote.s32 $0x1  }
0xbd: {  	_ =	sfence.sel $0xFFFF  }
0xbe: {  	[dreg:$0x0] =	wrdreg $0xFFFFFFFF;
	(pc) =	sbr.abs _section_cstart, $3  }
0xbf: {  	[dreg:$0x1] =	wrdreg $0xFFFFFFFF  }
0xc0: {  	_ =	task.clear_ibuf [dreg:s6], $0x2FFFF;
	_ =	strace $0x9FFFFFFF  }
0xc1: {  	(tm) =	ssettm $0x7FFFFFFF  }
tec
execute0_lowered:
.L_overlay_start_1:
0x0: {  	(tag) =	ssettag $0x1  }
0x1: {  	s4 =	rddreg [dreg:$0x0]  }
0x2: {  	s0 =	rddreg [dreg:$0x1];
	s2 =	simm.s32 $0x0;
	s5 =	srdreg.scid  }
0x3: {  	s1 =	stileid.u32;
	s11 =	simm.s32 $0x0;
	[smem:$0x7FF] =	sst s2  }
0x4: {  	s3 =	sadd.s32 $0x18A00, s4;
	s5 =	sand.u32 $0x1, s5;
	s6 =	sshll.u32 s1, $0xC  }
0x5: {  	s8 =	smul.u32 $0x50000, s1;
	_ =	strace $0x80000047;
	s7 =	sshll.u32 s5, $0xB  }
0x6: {  	s9 =	ssub.s32 $0x2, s5;
	s10 =	smul.u32 $0x28000, s5;
	s6 =	sor.u32 s7, s6  }
0x7: {  	s29 =	sshrl.u32 s9, $0x1;
	s31 =	sadd.s32 s8, s4;
	s8 =	simm.s32 $0x50  }
0x8: {  	s30 =	sadd.s32 s6, s4;
	s7 =	ssub.s32 s9, s29;
	s6 =	sadd.s32 s10, s31  }
0x9: {  	s9 =	simm.s32 $0x4000;
	s10 =	simm.s32 $0x1;
	s4 =	sadd.s32 $0x8A00, s30  }
0xa: {  	s5 =	smax.u32 s7, $0x1;
	s6 =	sadd.s32 $0x58A00, s6;
	s7 =	simm.s32 $0x2  }
.LBB2_1:
0xb: {  	[tilespmem:s2], [sflag:$0x2] =	stream.linear.gather [hbm4b:s4+s2], $0x4000, $0x38;
	[tilespmem:$0x6800] =	vst v63  }
0xc: {  	_ =	swait.ge [sflag:s7], $0x4000  }
0xd: {  	[sflag:s7] =	ssyncset.done $0x0  }
0xe: {  	s12 =	simm.s32 $0x0;
	[sflag:s7] =	ssyncadd.s32 $0xFFFFC000  }
0xf: {  	[tilespmem:s9], [sflag:$0x1] =	stream.indirect.gather [hbm4b:s3+s8], $0x80, s12, s8, $0xb8;
	[tilespmem:$0x6800] =	vst v63  }
0x10: {  	_ =	swait.ge [sflag:s10], $0x2800  }
0x11: {  	[sflag:s10] =	ssyncset.done $0x0  }
0x12: {  	[sflag:s10] =	ssyncadd.s32 $0xFFFFD800  }
0x13: {  	[hbm4b:s6+s2] =	stream.linear.scatter [tilespmem:s9], [sflag:$0x2], $0x2800, $0x38;
	[tilespmem:$0x6800] =	vst v63  }
0x14: {  	s13 =	simm.s32 $0x200;
	_ =	swait.ge [sflag:s7], $0x2800  }
0x15: {  	s14 =	simm.s32 $0x400;
	s12 =	sadd.s32 $0x500, s6;
	[sflag:s7] =	ssyncset.done $0x0  }
.LBB2_2:
0x16: {  	s15 =	sshra.s32 s13, $0x2  }
0x17: {  	[sflag:s7] =	ssyncadd.s32 $0xFFFFD800;
	s13 =	smov.u32 s14;
	s16 =	sadd.s32 $0x200, s14  }
0x18: {  	[tilespmem:s9], [sflag:$0x1] =	stream.indirect.gather [hbm4b:s3+s8], $0x80, s15, s8, $0xb8;
	[tilespmem:$0x6800] =	vst v63  }
0x19: {  	p0 =	sne.s32 s14, $0xFE00;
	_ =	swait.ge [sflag:s10], $0x2800  }
.Ltmp0:
0x1a: {  	[sflag:s10] =	ssyncset.done $0x0;
	(pc) =	sbr.rel @p0 .LBB2_2-.Ltmp0, $4  }
0x1b: {  	[sflag:s10] =	ssyncadd.s32 $0xFFFFD800  }
0x1c: {  	[hbm4b:s12+s2] =	stream.linear.scatter [tilespmem:s9], [sflag:$0x2], $0x2800, $0x38;
	[tilespmem:$0x6800] =	vst v63  }
0x1d: {  	_ =	swait.ge [sflag:s7], $0x2800  }
0x1e: {  	s14 =	smov.u32 s16;
	s12 =	sadd.s32 $0x500, s12;
	[sflag:s7] =	ssyncset.done $0x0  }
0x1f: {  	s13 =	sshra.s32 s13, $0x2;
	[sflag:s7] =	ssyncadd.s32 $0xFFFFD800  }
0x20: {  	[tilespmem:s9], [sflag:$0x1] =	stream.indirect.gather [hbm4b:s3+s8], $0x80, s13, s8, $0xb8;
	[tilespmem:$0x6800] =	vst v63  }
0x21: {  	s11 =	sadd.s32 $0x1, s11;
	_ =	swait.ge [sflag:s10], $0x2800  }
0x22: {  	p0 =	sne.s32 s11, s5;
	[sflag:s10] =	ssyncset.done $0x0  }
.Ltmp1:
0x23: {  	[sflag:s10] =	ssyncadd.s32 $0xFFFFD800;
	(pc) =	sbr.rel @p0 .LBB2_1-.Ltmp1, $4  }
0x24: {  	[hbm4b:s12+s2] =	stream.linear.scatter [tilespmem:s9], [sflag:$0x2], $0x2800, $0x38;
	[tilespmem:$0x6800] =	vst v63  }
0x25: {  	_ =	swait.ge [sflag:s7], $0x2800  }
0x26: {  	[sflag:s7] =	ssyncset.done $0x0  }
0x27: {  	[sflag:s7] =	ssyncadd.s32 $0xFFFFD800  }
0x28: {  	_ =	sfence.sel $0x180000  }
0x29: {  	[bflag:$0x0] =	sbarrier.arrive $0xFFFF  }
0x2a: {  	p0 =	sne.s32 s1, $0x0;
	_ =	strace $0x90000047  }
0x2b: {  	s0 =	sadd.s32 @!p0 $0x100000, s0;
	[bflag:$0x2] =	sbarrier.arrive $0xFFFF  }
0x2c: {  	[sflag:s0] =	ssyncadd.tile.s32 @!p0 $0x1;
	_ =	shalt  }
.Lfunc_end2:
_tile_overlayer_lowered:
.L_overlay_start_2:
0x2d: {  	(tag) =	ssettag $0x2  }
0x2e: {  	s0 =	rddreg [dreg:$0x0];
	s2 =	stileid.u32  }
0x2f: {  	s1 =	rddreg [dreg:$0x1];
	p0 =	sne.s32 s2, $0x0  }
0x30: {  	s3 =	rddreg [dreg:$0x2];
	[bflag:$0x3] =	sbarrier.arrive $0xFFFF;
	s2 =	simm.s32 @!p0 $0x1C02  }
0x31: {  	[timem:s3], [sflag:s2] =	dma.local @!p0 [hbm:s0], s1  }
0x32: {  	s0 =	simm.s32 @!p0 $0x2  }
0x33: {  	_ =	swait.ge @!p0 [sflag:s0], s1  }
0x34: {  	s1 =	ssub.s32 @!p0 $0x0, s1;
	[sflag:s0] =	ssyncset.done @!p0 $0x0  }
0x35: {  	[sflag:s0] =	ssyncadd.s32 @!p0 s1  }
0x36: {  	[bflag:$0x3] =	sbarrier.arrive $0xFFFF  }
0x37: {  	_ =	shalt  }

// kernel: kernel.22.cloned.1.call-start
scs
__scs_entry_jumppad:
0x0: {  	(pc) =	sbr.rel $0x88, $3  }
0x1: {  	(tag) =	ssettag $0x0;
	lr =	simm.s32 $0x1  }
0x2: {  	[smem:$0x3F8C] =	sst lr;
	_ =	strace $0xD0000000  }
0x3: {  	_ = 	snop  }
0x4: {  	_ = 	snop  }
0x5: {  	_ = 	snop  }
0x6: {  	_ = 	snop  }
0x7: {  	_ = 	snop  }
__scs_overlays_trampoline_lowered:
0x8: {  	[smem:$0x3F9B] =	sst s0  }
0x9: {  	[smem:$0x3F9C] =	sst s1  }
0xa: {  	[smem:$0x3F9D] =	sst s2  }
0xb: {  	[smem:$0x3F9E] =	sst s3  }
0xc: {  	[smem:$0x3F9F] =	sst s4  }
0xd: {  	[smem:$0x3FA0] =	sst s5  }
0xe: {  	[smem:$0x3FA1] =	sst s6  }
0xf: {  	[smem:$0x3FA2] =	sst s7  }
0x10: {  	[smem:$0x3FA3] =	sst s8  }
0x11: {  	[smem:$0x3FA4] =	sst s9;
	s0 =	simm.s32 @!p0 $0x0  }
0x12: {  	s1 =	sld [smem:$0x3F8A];
	s0 =	simm.s32 @p0 $0x1  }
0x13: {  	[smem:$0x3FA5] =	sst s0;
	s0 =	simm.s32 @!p1 $0x0  }
0x14: {  	s2 =	sld [smem:$0x3F89];
	s0 =	simm.s32 @p1 $0x1  }
0x15: {  	[smem:$0x3FA6] =	sst s0;
	s0 =	simm.s32 @!p2 $0x0  }
0x16: {  	s3 =	sld [smem:$0x3FDB];
	s0 =	simm.s32 @p2 $0x1  }
0x17: {  	s4 =	simm.s32 $0x1BF5;
	[smem:$0x3FA8] =	sst s0  }
0x18: {  	s0 =	sld [smem:$0x3F8B];
	_ =	swait.ge [sflag:s4], $0x0  }
0x19: {  	s7 =	sld [smem:$0x3F8C]  }
0x1a: {  	s8 =	sadd.s32 $0xFFFFE003, lr  }
0x1b: {  	s9 =	sadd.s32 $0xFFFFFEF7, lr;
	s5 =	simm.s32 $0xFFFFFFFF;
	p2 =	slt.u32 s8, $0xFFFFF086  }
0x1c: {  	p1 =	slt.u32 s9, $0xF7A;
	s5 =	simm.s32 @!p2 $0x0  }
0x1d: {  	s5 =	simm.s32 @p1 $0x1;
	p0 =	seq.s32 s7, s2  }
0x1e: {  	s7 =	smul.u32 @!p0 $0xF7A, s2;
	p2 =	seq.s32 @!p0 s5, $0x0  }
0x1f: {  	s9 =	smul.u32 $0xF7A, s1;
	s8 =	simm.s32 @!p0 $0x1BF5;
	p2 =	por !p2, p0  }
0x20: {  	[sflag:s8] =	ssyncset.s32 @!p0 $0xFFFFF086;
	s6 =	sadd.s32 @!p0 s3, s7;
	s7 =	simm.s32 @!p0 $0x108  }
0x21: {  	s3 =	sadd.s32 s3, s9;
	s6 =	sadd.s32 @!p0 $0x88, s6;
	s7 =	simm.s32 @p2 $0x1082  }
0x22: {  	[simem:s7], [sflag:s8] =	dma.local @!p0 [hbm:s6], $0xF7A  }
0x23: {  	s9 =	sor.u32 $0xD0000000, s2;
	s6 =	simm.s32 $0x108;
	_ =	swait.ge @!p0 [sflag:s8], $0x0  }
0x24: {  	s3 =	sadd.s32 $0x88, s3;
	s6 =	simm.s32 @!p1 $0x1082;
	[sflag:s4] =	ssyncset.s32 $0xFFFFF086  }
0x25: {  	[simem:s6], [sflag:s4] =	dma.local [hbm:s3], $0xF7A  }
0x26: {  	[smem:$0x3F8C] =	sst s1;
	(tag) =	ssettag s2;
	_ =	strace s9  }
0x27: {  	s1 =	sld [smem:$0x3F9C]  }
0x28: {  	s2 =	sld [smem:$0x3F9D]  }
0x29: {  	s4 =	sld [smem:$0x3F9F]  }
0x2a: {  	p0 =	seq.s32 s5, $0x0;
	s5 =	sld [smem:$0x3FA0]  }
0x2b: {  	s6 =	sld [smem:$0x3FA1]  }
0x2c: {  	s7 =	sld [smem:$0x3FA2]  }
0x2d: {  	s3 =	simm.s32 $0x108;
	s8 =	sld [smem:$0x3FA3]  }
0x2e: {  	s3 =	simm.s32 @!p0 $0x1082;
	s9 =	sld [smem:$0x3FA4]  }
0x2f: {  	lr =	sadd.s32 s0, s3;
	s0 =	sld [smem:$0x3F9B]  }
0x30: {  	s3 =	sld [smem:$0x3F9E]  }
0x31: {  	[smem:$0x3FA7] =	sst s10  }
0x32: {  	s10 =	sld [smem:$0x3FA5];
	_ =	sdelay $0x3  }
0x33: {  	p0 =	seq.s32 s10, $0x1;
	s10 =	sld [smem:$0x3FA7];
	_ =	sdelay $0x3  }
0x34: {  	[smem:$0x3FA7] =	sst s10  }
0x35: {  	s10 =	sld [smem:$0x3FA6];
	_ =	sdelay $0x3  }
0x36: {  	p1 =	seq.s32 s10, $0x1;
	s10 =	sld [smem:$0x3FA7];
	_ =	sdelay $0x3  }
0x37: {  	[smem:$0x3FA7] =	sst s10  }
0x38: {  	s10 =	sld [smem:$0x3FA8]  }
0x39: {  	_ = 	snop;
	(pc) =	sbr.ind lr, $3  }
0x3a: {  	_ = 	snop  }
0x3b: {  	_ = 	snop  }
0x3c: {  	p2 =	seq.s32 s10, $0x1;
	s10 =	sld [smem:$0x3FA7]  }
0x3d: {  	_ =	shalt  }
0x3e: {  	_ =	shalt  }
0x3f: {  	_ =	shalt  }
0x40: {  	_ =	shalt  }
0x41: {  	_ =	shalt  }
0x42: {  	_ =	shalt  }
0x43: {  	_ =	shalt  }
0x44: {  	_ =	shalt  }
0x45: {  	_ =	shalt  }
0x46: {  	_ =	shalt  }
0x47: {  	_ =	shalt  }
0x48: {  	_ =	shalt  }
0x49: {  	_ =	shalt  }
0x4a: {  	_ =	shalt  }
0x4b: {  	_ =	shalt  }
0x4c: {  	_ =	shalt  }
0x4d: {  	_ =	shalt  }
0x4e: {  	_ =	shalt  }
0x4f: {  	_ =	shalt  }
0x50: {  	_ =	shalt  }
0x51: {  	_ =	shalt  }
0x52: {  	_ =	shalt  }
0x53: {  	_ =	shalt  }
0x54: {  	_ =	shalt  }
0x55: {  	_ =	shalt  }
0x56: {  	_ =	shalt  }
0x57: {  	_ =	shalt  }
0x58: {  	_ =	shalt  }
0x59: {  	_ =	shalt  }
0x5a: {  	_ =	shalt  }
0x5b: {  	_ =	shalt  }
0x5c: {  	_ =	shalt  }
0x5d: {  	_ =	shalt  }
0x5e: {  	_ =	shalt  }
0x5f: {  	_ =	shalt  }
0x60: {  	_ =	shalt  }
0x61: {  	_ =	shalt  }
0x62: {  	_ =	shalt  }
0x63: {  	_ =	shalt  }
0x64: {  	_ =	shalt  }
0x65: {  	_ =	shalt  }
0x66: {  	_ =	shalt  }
0x67: {  	_ =	shalt  }
0x68: {  	_ =	shalt  }
0x69: {  	_ =	shalt  }
0x6a: {  	_ =	shalt  }
0x6b: {  	_ =	shalt  }
0x6c: {  	_ =	shalt  }
0x6d: {  	_ =	shalt  }
0x6e: {  	_ =	shalt  }
0x6f: {  	_ =	shalt  }
0x70: {  	_ =	shalt  }
0x71: {  	_ =	shalt  }
0x72: {  	_ =	shalt  }
0x73: {  	_ =	shalt  }
0x74: {  	_ =	shalt  }
0x75: {  	_ =	shalt  }
0x76: {  	_ =	shalt  }
0x77: {  	_ =	shalt  }
0x78: {  	_ =	shalt  }
0x79: {  	_ =	shalt  }
0x7a: {  	_ =	shalt  }
0x7b: {  	_ =	shalt  }
0x7c: {  	_ =	shalt  }
0x7d: {  	_ =	shalt  }
0x7e: {  	_ =	shalt  }
0x7f: {  	_ =	shalt  }
0x80: {  	_ =	shalt  }
0x81: {  	_ =	shalt  }
0x82: {  	_ =	shalt  }
0x83: {  	_ =	shalt  }
0x84: {  	_ =	shalt  }
0x85: {  	_ =	shalt  }
0x86: {  	_ =	shalt  }
0x87: {  	_ =	shalt  }
.Lfunc_end0:
.L_simem_size_0:
called_computation.1_lowered:
.L_overlay_start_0:
0x88: {  	s2 =	sld [smem:$0x3FD9]  }
0x89: {  	s3 =	sld [smem:$0x3FFE];
	_ =	sdelay $0x1  }
0x8a: {  	s1 =	srdreg.scid  }
0x8b: {  	s0 =	sand.u32 $0x1, s1  }
0x8c: {  	s16 =	sshll.u32 s0, $0xA;
	s2 =	sadd.s32 s3, s2  }
0x8d: {  	s2 =	sadd.s32 s2, s16  }
0x8e: {  	[smem:$0x3FB3] =	sst s2  }
0x8f: {  	_ = 	snop  }
0x90: {  	(tm) =	ssettm $0x1  }
0x91: {  	s17 =	sld [smem:$0x3FFB];
	_ =	sdelay $0x3  }
0x92: {  	_ =	strace s17  }
0x93: {  	s2 =	sld [smem:$0x3FFC];
	_ =	sdelay $0x3  }
0x94: {  	_ =	strace s2  }
0x95: {  	s2 =	sld [smem:$0x3FFD];
	_ =	sdelay $0x3  }
0x96: {  	_ =	strace s2  }
0x97: {  	_ =	strace $0x8FFFFFFF  }
0x98: {  	s18 =	sld [smem:$0x3FDB];
	_ =	sdelay $0x1  }
0x99: {  	s19 =	simm.s32 $_scs_section_size  }
0x9a: {  	s4 =	simm.s32 $_size__tile_overlayer_lowered;
	s5 =	simm.s32 $_tile_overlayer_lowered  }
0x9b: {  	s22 =	simm.s32 $0x1BFF;
	s21 =	sshll.u32 s5, $0x1;
	s2 =	sadd.s32 s19, s18  }
0x9c: {  	s6 =	simm.s32 $0x0;
	s20 =	sshll.u32 s4, $0x1;
	s4 =	sadd.s32 s21, s2  }
0x9d: {  	[timem:s6], [sflag:s22] =	dma.local [hbm:s4], s20  }
0x9e: {  	_ =	swait.ge [sflag:s22], s20  }
0x9f: {  	s3 =	ssub.s32 $0x0, s20;
	[sflag:s22] =	ssyncset.done $0x0  }
0xa0: {  	[sflag:s22] =	ssyncadd.s32 s3;
	_ =	sdelay $0x1  }
0xa1: {  	s23 =	simm.s32 $0x1B8B  }
0xa2: {  	_ =	swait.ge [sflag:s23], $0x1  }
0xa3: {  	[sflag:s23] =	ssyncset.done $0x0  }
0xa4: {  	s25 =	simm.s32 $0x1B8E;
	s24 =	sld [smem:$0x3FFE];
	[sflag:s23] =	ssyncadd.s32 $0xFFFFFFFF  }
0xa5: {  	s26 =	simm.s32 $execute0_lowered;
	[smem:$0x3FD2] =	sst s25  }
0xa6: {  	s4 =	sshll.u32 s26, $0x1;
	_ =	strace $0x80000049;
	[dreg:$0x1] =	wrdreg $0xFFFFFFFF  }
0xa7: {  	s28 =	simm.s32 $_size_execute0_lowered;
	s2 =	sadd.s32 s2, s4;
	[dreg:$0x0] =	wrdreg $0x0  }
0xa8: {  	s4 =	sshll.u32 s28, $0x1;
	[dreg:$0x2] =	wrdreg s2  }
0xa9: {  	[dreg:$0x3] =	wrdreg s4  }
0xaa: {  	[dreg:$0x4] =	wrdreg $0xC0  }
0xab: {  	_ =	task [dreg:s6], $0x5FFFF  }
0xac: {  	[dreg:$0x1] =	wrdreg $0xFFFFFFFF  }
0xad: {  	[dreg:$0x0] =	wrdreg $0x60  }
0xae: {  	[dreg:$0x2] =	wrdreg s24  }
0xaf: {  	[dreg:$0x3] =	wrdreg $0x9  }
0xb0: {  	_ =	task.clear_ibuf [dreg:s6], $0x4FFFF;
	_ =	strace $0x90000049  }
0xb1: {  	s29 =	simm.s32 $0x9;
	_ =	strace $0x8000004B  }
0xb2: {  	_ =	swait.ge [sflag:s29], $0x1  }
0xb3: {  	[sflag:s29] =	ssyncadd.s32 $0xFFFFFFFF  }
0xb4: {  	_ =	strace $0x9000004B  }
0xb5: {  	_ =	sfence  }
0xb6: {  	s30 =	sld [smem:$0x0];
	_ =	sdelay $0x2  }
0xb7: {  	s31 =	sshll.u32 s1, $0xD;
	s1 =	sshrl.u32 s1, $0x2  }
0xb8: {  	s3 =	sand.u32 $0x4000, s31;
	s1 =	sadd.s32 s1, s30  }
0xb9: {  	s0 =	sor.u32 s3, s0;
	s1 =	sshll.u32 s1, $0x11  }
0xba: {  	s0 =	sor.u32 s1, s0  }
0xbb: {  	s0 =	sadd.s32 $0x8F2B, s0  }
0xbc: {  	[sflag:s0] =	ssyncadd.remote.s32 $0x1  }
0xbd: {  	_ =	sfence.sel $0xFFFF  }
0xbe: {  	[dreg:$0x0] =	wrdreg $0xFFFFFFFF;
	(pc) =	sbr.abs _section_cstart, $3  }
0xbf: {  	[dreg:$0x1] =	wrdreg $0xFFFFFFFF  }
0xc0: {  	_ =	task.clear_ibuf [dreg:s6], $0x2FFFF;
	_ =	strace $0x9FFFFFFF  }
0xc1: {  	(tm) =	ssettm $0x7FFFFFFF  }
tec
execute0_lowered:
.L_overlay_start_1:
0x0: {  	(tag) =	ssettag $0x1  }
0x1: {  	s4 =	rddreg [dreg:$0x0]  }
0x2: {  	s0 =	rddreg [dreg:$0x1];
	s2 =	simm.s32 $0x0;
	s5 =	srdreg.scid  }
0x3: {  	s1 =	stileid.u32;
	s11 =	simm.s32 $0x0;
	[smem:$0x7FF] =	sst s2  }
0x4: {  	s3 =	sadd.s32 $0x8A00, s4;
	s5 =	sand.u32 $0x1, s5;
	s6 =	sshll.u32 s1, $0xC  }
0x5: {  	s8 =	smul.u32 $0x50000, s1;
	_ =	strace $0x8000004A;
	s7 =	sshll.u32 s5, $0xB  }
0x6: {  	s9 =	ssub.s32 $0x2, s5;
	s10 =	smul.u32 $0x28000, s5;
	s6 =	sor.u32 s7, s6  }
0x7: {  	s29 =	sshrl.u32 s9, $0x1;
	s31 =	sadd.s32 s8, s4;
	s8 =	simm.s32 $0x50  }
0x8: {  	s30 =	sadd.s32 s6, s4;
	s7 =	ssub.s32 s9, s29;
	s6 =	sadd.s32 s10, s31  }
0x9: {  	s9 =	simm.s32 $0x4000;
	s10 =	simm.s32 $0x1;
	s4 =	sadd.s32 $0x48E00, s30  }
0xa: {  	s5 =	smax.u32 s7, $0x1;
	s6 =	sadd.s32 $0x58E00, s6;
	s7 =	simm.s32 $0x2  }
.LBB2_1:
0xb: {  	[tilespmem:s2], [sflag:$0x2] =	stream.linear.gather [hbm4b:s4+s2], $0x4000, $0x38;
	[tilespmem:$0x6800] =	vst v63  }
0xc: {  	_ =	swait.ge [sflag:s7], $0x4000  }
0xd: {  	[sflag:s7] =	ssyncset.done $0x0  }
0xe: {  	s12 =	simm.s32 $0x0;
	[sflag:s7] =	ssyncadd.s32 $0xFFFFC000  }
0xf: {  	[tilespmem:s9], [sflag:$0x1] =	stream.indirect.gather [hbm4b:s3+s8], $0x80, s12, s8, $0xb8;
	[tilespmem:$0x6800] =	vst v63  }
0x10: {  	_ =	swait.ge [sflag:s10], $0x2800  }
0x11: {  	[sflag:s10] =	ssyncset.done $0x0  }
0x12: {  	[sflag:s10] =	ssyncadd.s32 $0xFFFFD800  }
0x13: {  	[hbm4b:s6+s2] =	stream.linear.scatter [tilespmem:s9], [sflag:$0x2], $0x2800, $0x38;
	[tilespmem:$0x6800] =	vst v63  }
0x14: {  	s13 =	simm.s32 $0x200;
	_ =	swait.ge [sflag:s7], $0x2800  }
0x15: {  	s14 =	simm.s32 $0x400;
	s12 =	sadd.s32 $0x500, s6;
	[sflag:s7] =	ssyncset.done $0x0  }
.LBB2_2:
0x16: {  	s15 =	sshra.s32 s13, $0x2  }
0x17: {  	[sflag:s7] =	ssyncadd.s32 $0xFFFFD800;
	s13 =	smov.u32 s14;
	s16 =	sadd.s32 $0x200, s14  }
0x18: {  	[tilespmem:s9], [sflag:$0x1] =	stream.indirect.gather [hbm4b:s3+s8], $0x80, s15, s8, $0xb8;
	[tilespmem:$0x6800] =	vst v63  }
0x19: {  	p0 =	sne.s32 s14, $0xFE00;
	_ =	swait.ge [sflag:s10], $0x2800  }
.Ltmp0:
0x1a: {  	[sflag:s10] =	ssyncset.done $0x0;
	(pc) =	sbr.rel @p0 .LBB2_2-.Ltmp0, $4  }
0x1b: {  	[sflag:s10] =	ssyncadd.s32 $0xFFFFD800  }
0x1c: {  	[hbm4b:s12+s2] =	stream.linear.scatter [tilespmem:s9], [sflag:$0x2], $0x2800, $0x38;
	[tilespmem:$0x6800] =	vst v63  }
0x1d: {  	_ =	swait.ge [sflag:s7], $0x2800  }
0x1e: {  	s14 =	smov.u32 s16;
	s12 =	sadd.s32 $0x500, s12;
	[sflag:s7] =	ssyncset.done $0x0  }
0x1f: {  	s13 =	sshra.s32 s13, $0x2;
	[sflag:s7] =	ssyncadd.s32 $0xFFFFD800  }
0x20: {  	[tilespmem:s9], [sflag:$0x1] =	stream.indirect.gather [hbm4b:s3+s8], $0x80, s13, s8, $0xb8;
	[tilespmem:$0x6800] =	vst v63  }
0x21: {  	s11 =	sadd.s32 $0x1, s11;
	_ =	swait.ge [sflag:s10], $0x2800  }
0x22: {  	p0 =	sne.s32 s11, s5;
	[sflag:s10] =	ssyncset.done $0x0  }
.Ltmp1:
0x23: {  	[sflag:s10] =	ssyncadd.s32 $0xFFFFD800;
	(pc) =	sbr.rel @p0 .LBB2_1-.Ltmp1, $4  }
0x24: {  	[hbm4b:s12+s2] =	stream.linear.scatter [tilespmem:s9], [sflag:$0x2], $0x2800, $0x38;
	[tilespmem:$0x6800] =	vst v63  }
0x25: {  	_ =	swait.ge [sflag:s7], $0x2800  }
0x26: {  	[sflag:s7] =	ssyncset.done $0x0  }
0x27: {  	[sflag:s7] =	ssyncadd.s32 $0xFFFFD800  }
0x28: {  	_ =	sfence.sel $0x180000  }
0x29: {  	[bflag:$0x0] =	sbarrier.arrive $0xFFFF  }
0x2a: {  	p0 =	sne.s32 s1, $0x0;
	_ =	strace $0x9000004A  }
0x2b: {  	s0 =	sadd.s32 @!p0 $0x100000, s0;
	[bflag:$0x2] =	sbarrier.arrive $0xFFFF  }
0x2c: {  	[sflag:s0] =	ssyncadd.tile.s32 @!p0 $0x1;
	_ =	shalt  }
.Lfunc_end2:
_tile_overlayer_lowered:
.L_overlay_start_2:
0x2d: {  	(tag) =	ssettag $0x2  }
0x2e: {  	s0 =	rddreg [dreg:$0x0];
	s2 =	stileid.u32  }
0x2f: {  	s1 =	rddreg [dreg:$0x1];
	p0 =	sne.s32 s2, $0x0  }
0x30: {  	s3 =	rddreg [dreg:$0x2];
	[bflag:$0x3] =	sbarrier.arrive $0xFFFF;
	s2 =	simm.s32 @!p0 $0x1C02  }
0x31: {  	[timem:s3], [sflag:s2] =	dma.local @!p0 [hbm:s0], s1  }
0x32: {  	s0 =	simm.s32 @!p0 $0x2  }
0x33: {  	_ =	swait.ge @!p0 [sflag:s0], s1  }
0x34: {  	s1 =	ssub.s32 @!p0 $0x0, s1;
	[sflag:s0] =	ssyncset.done @!p0 $0x0  }
0x35: {  	[sflag:s0] =	ssyncadd.s32 @!p0 s1  }
0x36: {  	[bflag:$0x3] =	sbarrier.arrive $0xFFFF  }
0x37: {  	_ =	shalt  }

// kernel: kernel.25.cloned.1.call-start
scs
__scs_entry_jumppad:
0x0: {  	(pc) =	sbr.rel $0x88, $3  }
0x1: {  	(tag) =	ssettag $0x0;
	lr =	simm.s32 $0x1  }
0x2: {  	[smem:$0x3F8C] =	sst lr;
	_ =	strace $0xD0000000  }
0x3: {  	_ = 	snop  }
0x4: {  	_ = 	snop  }
0x5: {  	_ = 	snop  }
0x6: {  	_ = 	snop  }
0x7: {  	_ = 	snop  }
__scs_overlays_trampoline_lowered:
0x8: {  	[smem:$0x3F9B] =	sst s0  }
0x9: {  	[smem:$0x3F9C] =	sst s1  }
0xa: {  	[smem:$0x3F9D] =	sst s2  }
0xb: {  	[smem:$0x3F9E] =	sst s3  }
0xc: {  	[smem:$0x3F9F] =	sst s4  }
0xd: {  	[smem:$0x3FA0] =	sst s5  }
0xe: {  	[smem:$0x3FA1] =	sst s6  }
0xf: {  	[smem:$0x3FA2] =	sst s7  }
0x10: {  	[smem:$0x3FA3] =	sst s8  }
0x11: {  	[smem:$0x3FA4] =	sst s9;
	s0 =	simm.s32 @!p0 $0x0  }
0x12: {  	s1 =	sld [smem:$0x3F8A];
	s0 =	simm.s32 @p0 $0x1  }
0x13: {  	[smem:$0x3FA5] =	sst s0;
	s0 =	simm.s32 @!p1 $0x0  }
0x14: {  	s2 =	sld [smem:$0x3F89];
	s0 =	simm.s32 @p1 $0x1  }
0x15: {  	[smem:$0x3FA6] =	sst s0;
	s0 =	simm.s32 @!p2 $0x0  }
0x16: {  	s3 =	sld [smem:$0x3FDB];
	s0 =	simm.s32 @p2 $0x1  }
0x17: {  	s4 =	simm.s32 $0x1BF5;
	[smem:$0x3FA8] =	sst s0  }
0x18: {  	s0 =	sld [smem:$0x3F8B];
	_ =	swait.ge [sflag:s4], $0x0  }
0x19: {  	s7 =	sld [smem:$0x3F8C]  }
0x1a: {  	s8 =	sadd.s32 $0xFFFFE003, lr  }
0x1b: {  	s9 =	sadd.s32 $0xFFFFFEF7, lr;
	s5 =	simm.s32 $0xFFFFFFFF;
	p2 =	slt.u32 s8, $0xFFFFF086  }
0x1c: {  	p1 =	slt.u32 s9, $0xF7A;
	s5 =	simm.s32 @!p2 $0x0  }
0x1d: {  	s5 =	simm.s32 @p1 $0x1;
	p0 =	seq.s32 s7, s2  }
0x1e: {  	s7 =	smul.u32 @!p0 $0xF7A, s2;
	p2 =	seq.s32 @!p0 s5, $0x0  }
0x1f: {  	s9 =	smul.u32 $0xF7A, s1;
	s8 =	simm.s32 @!p0 $0x1BF5;
	p2 =	por !p2, p0  }
0x20: {  	[sflag:s8] =	ssyncset.s32 @!p0 $0xFFFFF086;
	s6 =	sadd.s32 @!p0 s3, s7;
	s7 =	simm.s32 @!p0 $0x108  }
0x21: {  	s3 =	sadd.s32 s3, s9;
	s6 =	sadd.s32 @!p0 $0x88, s6;
	s7 =	simm.s32 @p2 $0x1082  }
0x22: {  	[simem:s7], [sflag:s8] =	dma.local @!p0 [hbm:s6], $0xF7A  }
0x23: {  	s9 =	sor.u32 $0xD0000000, s2;
	s6 =	simm.s32 $0x108;
	_ =	swait.ge @!p0 [sflag:s8], $0x0  }
0x24: {  	s3 =	sadd.s32 $0x88, s3;
	s6 =	simm.s32 @!p1 $0x1082;
	[sflag:s4] =	ssyncset.s32 $0xFFFFF086  }
0x25: {  	[simem:s6], [sflag:s4] =	dma.local [hbm:s3], $0xF7A  }
0x26: {  	[smem:$0x3F8C] =	sst s1;
	(tag) =	ssettag s2;
	_ =	strace s9  }
0x27: {  	s1 =	sld [smem:$0x3F9C]  }
0x28: {  	s2 =	sld [smem:$0x3F9D]  }
0x29: {  	s4 =	sld [smem:$0x3F9F]  }
0x2a: {  	p0 =	seq.s32 s5, $0x0;
	s5 =	sld [smem:$0x3FA0]  }
0x2b: {  	s6 =	sld [smem:$0x3FA1]  }
0x2c: {  	s7 =	sld [smem:$0x3FA2]  }
0x2d: {  	s3 =	simm.s32 $0x108;
	s8 =	sld [smem:$0x3FA3]  }
0x2e: {  	s3 =	simm.s32 @!p0 $0x1082;
	s9 =	sld [smem:$0x3FA4]  }
0x2f: {  	lr =	sadd.s32 s0, s3;
	s0 =	sld [smem:$0x3F9B]  }
0x30: {  	s3 =	sld [smem:$0x3F9E]  }
0x31: {  	[smem:$0x3FA7] =	sst s10  }
0x32: {  	s10 =	sld [smem:$0x3FA5];
	_ =	sdelay $0x3  }
0x33: {  	p0 =	seq.s32 s10, $0x1;
	s10 =	sld [smem:$0x3FA7];
	_ =	sdelay $0x3  }
0x34: {  	[smem:$0x3FA7] =	sst s10  }
0x35: {  	s10 =	sld [smem:$0x3FA6];
	_ =	sdelay $0x3  }
0x36: {  	p1 =	seq.s32 s10, $0x1;
	s10 =	sld [smem:$0x3FA7];
	_ =	sdelay $0x3  }
0x37: {  	[smem:$0x3FA7] =	sst s10  }
0x38: {  	s10 =	sld [smem:$0x3FA8]  }
0x39: {  	_ = 	snop;
	(pc) =	sbr.ind lr, $3  }
0x3a: {  	_ = 	snop  }
0x3b: {  	_ = 	snop  }
0x3c: {  	p2 =	seq.s32 s10, $0x1;
	s10 =	sld [smem:$0x3FA7]  }
0x3d: {  	_ =	shalt  }
0x3e: {  	_ =	shalt  }
0x3f: {  	_ =	shalt  }
0x40: {  	_ =	shalt  }
0x41: {  	_ =	shalt  }
0x42: {  	_ =	shalt  }
0x43: {  	_ =	shalt  }
0x44: {  	_ =	shalt  }
0x45: {  	_ =	shalt  }
0x46: {  	_ =	shalt  }
0x47: {  	_ =	shalt  }
0x48: {  	_ =	shalt  }
0x49: {  	_ =	shalt  }
0x4a: {  	_ =	shalt  }
0x4b: {  	_ =	shalt  }
0x4c: {  	_ =	shalt  }
0x4d: {  	_ =	shalt  }
0x4e: {  	_ =	shalt  }
0x4f: {  	_ =	shalt  }
0x50: {  	_ =	shalt  }
0x51: {  	_ =	shalt  }
0x52: {  	_ =	shalt  }
0x53: {  	_ =	shalt  }
0x54: {  	_ =	shalt  }
0x55: {  	_ =	shalt  }
0x56: {  	_ =	shalt  }
0x57: {  	_ =	shalt  }
0x58: {  	_ =	shalt  }
0x59: {  	_ =	shalt  }
0x5a: {  	_ =	shalt  }
0x5b: {  	_ =	shalt  }
0x5c: {  	_ =	shalt  }
0x5d: {  	_ =	shalt  }
0x5e: {  	_ =	shalt  }
0x5f: {  	_ =	shalt  }
0x60: {  	_ =	shalt  }
0x61: {  	_ =	shalt  }
0x62: {  	_ =	shalt  }
0x63: {  	_ =	shalt  }
0x64: {  	_ =	shalt  }
0x65: {  	_ =	shalt  }
0x66: {  	_ =	shalt  }
0x67: {  	_ =	shalt  }
0x68: {  	_ =	shalt  }
0x69: {  	_ =	shalt  }
0x6a: {  	_ =	shalt  }
0x6b: {  	_ =	shalt  }
0x6c: {  	_ =	shalt  }
0x6d: {  	_ =	shalt  }
0x6e: {  	_ =	shalt  }
0x6f: {  	_ =	shalt  }
0x70: {  	_ =	shalt  }
0x71: {  	_ =	shalt  }
0x72: {  	_ =	shalt  }
0x73: {  	_ =	shalt  }
0x74: {  	_ =	shalt  }
0x75: {  	_ =	shalt  }
0x76: {  	_ =	shalt  }
0x77: {  	_ =	shalt  }
0x78: {  	_ =	shalt  }
0x79: {  	_ =	shalt  }
0x7a: {  	_ =	shalt  }
0x7b: {  	_ =	shalt  }
0x7c: {  	_ =	shalt  }
0x7d: {  	_ =	shalt  }
0x7e: {  	_ =	shalt  }
0x7f: {  	_ =	shalt  }
0x80: {  	_ =	shalt  }
0x81: {  	_ =	shalt  }
0x82: {  	_ =	shalt  }
0x83: {  	_ =	shalt  }
0x84: {  	_ =	shalt  }
0x85: {  	_ =	shalt  }
0x86: {  	_ =	shalt  }
0x87: {  	_ =	shalt  }
.Lfunc_end0:
.L_simem_size_0:
called_computation.2_lowered:
.L_overlay_start_0:
0x88: {  	s2 =	sld [smem:$0x3FD9]  }
0x89: {  	s3 =	sld [smem:$0x3FFE];
	_ =	sdelay $0x1  }
0x8a: {  	s1 =	srdreg.scid  }
0x8b: {  	s0 =	sand.u32 $0x1, s1  }
0x8c: {  	s16 =	sshll.u32 s0, $0xA;
	s2 =	sadd.s32 s3, s2  }
0x8d: {  	s2 =	sadd.s32 s2, s16  }
0x8e: {  	[smem:$0x3FB3] =	sst s2  }
0x8f: {  	_ = 	snop  }
0x90: {  	(tm) =	ssettm $0x1  }
0x91: {  	s17 =	sld [smem:$0x3FFB];
	_ =	sdelay $0x3  }
0x92: {  	_ =	strace s17  }
0x93: {  	s2 =	sld [smem:$0x3FFC];
	_ =	sdelay $0x3  }
0x94: {  	_ =	strace s2  }
0x95: {  	s2 =	sld [smem:$0x3FFD];
	_ =	sdelay $0x3  }
0x96: {  	_ =	strace s2  }
0x97: {  	_ =	strace $0x8FFFFFFF  }
0x98: {  	s18 =	sld [smem:$0x3FDB];
	_ =	sdelay $0x1  }
0x99: {  	s19 =	simm.s32 $_scs_section_size  }
0x9a: {  	s4 =	simm.s32 $_size__tile_overlayer_lowered;
	s5 =	simm.s32 $_tile_overlayer_lowered  }
0x9b: {  	s22 =	simm.s32 $0x1BFF;
	s21 =	sshll.u32 s5, $0x1;
	s2 =	sadd.s32 s19, s18  }
0x9c: {  	s6 =	simm.s32 $0x0;
	s20 =	sshll.u32 s4, $0x1;
	s4 =	sadd.s32 s21, s2  }
0x9d: {  	[timem:s6], [sflag:s22] =	dma.local [hbm:s4], s20  }
0x9e: {  	_ =	swait.ge [sflag:s22], s20  }
0x9f: {  	s3 =	ssub.s32 $0x0, s20;
	[sflag:s22] =	ssyncset.done $0x0  }
0xa0: {  	[sflag:s22] =	ssyncadd.s32 s3;
	_ =	sdelay $0x1  }
0xa1: {  	s23 =	simm.s32 $0x1B8B  }
0xa2: {  	_ =	swait.ge [sflag:s23], $0x1  }
0xa3: {  	[sflag:s23] =	ssyncset.done $0x0  }
0xa4: {  	s25 =	simm.s32 $0x1B8E;
	s24 =	sld [smem:$0x3FFE];
	[sflag:s23] =	ssyncadd.s32 $0xFFFFFFFF  }
0xa5: {  	s26 =	simm.s32 $execute0_lowered;
	[smem:$0x3FD2] =	sst s25  }
0xa6: {  	s4 =	sshll.u32 s26, $0x1;
	_ =	strace $0x8000004C;
	[dreg:$0x1] =	wrdreg $0xFFFFFFFF  }
0xa7: {  	s28 =	simm.s32 $_size_execute0_lowered;
	s2 =	sadd.s32 s2, s4;
	[dreg:$0x0] =	wrdreg $0x0  }
0xa8: {  	s4 =	sshll.u32 s28, $0x1;
	[dreg:$0x2] =	wrdreg s2  }
0xa9: {  	[dreg:$0x3] =	wrdreg s4  }
0xaa: {  	[dreg:$0x4] =	wrdreg $0xC0  }
0xab: {  	_ =	task [dreg:s6], $0x5FFFF  }
0xac: {  	[dreg:$0x1] =	wrdreg $0xFFFFFFFF  }
0xad: {  	[dreg:$0x0] =	wrdreg $0x60  }
0xae: {  	[dreg:$0x2] =	wrdreg s24  }
0xaf: {  	[dreg:$0x3] =	wrdreg $0x9  }
0xb0: {  	_ =	task.clear_ibuf [dreg:s6], $0x4FFFF;
	_ =	strace $0x9000004C  }
0xb1: {  	s29 =	simm.s32 $0x9;
	_ =	strace $0x8000004E  }
0xb2: {  	_ =	swait.ge [sflag:s29], $0x1  }
0xb3: {  	[sflag:s29] =	ssyncadd.s32 $0xFFFFFFFF  }
0xb4: {  	_ =	strace $0x9000004E  }
0xb5: {  	_ =	sfence  }
0xb6: {  	s30 =	sld [smem:$0x0];
	_ =	sdelay $0x2  }
0xb7: {  	s31 =	sshll.u32 s1, $0xD;
	s1 =	sshrl.u32 s1, $0x2  }
0xb8: {  	s3 =	sand.u32 $0x4000, s31;
	s1 =	sadd.s32 s1, s30  }
0xb9: {  	s0 =	sor.u32 s3, s0;
	s1 =	sshll.u32 s1, $0x11  }
0xba: {  	s0 =	sor.u32 s1, s0  }
0xbb: {  	s0 =	sadd.s32 $0x8F2B, s0  }
0xbc: {  	[sflag:s0] =	ssyncadd.remote.s32 $0x1  }
0xbd: {  	_ =	sfence.sel $0xFFFF  }
0xbe: {  	[dreg:$0x0] =	wrdreg $0xFFFFFFFF;
	(pc) =	sbr.abs _section_cstart, $3  }
0xbf: {  	[dreg:$0x1] =	wrdreg $0xFFFFFFFF  }
0xc0: {  	_ =	task.clear_ibuf [dreg:s6], $0x2FFFF;
	_ =	strace $0x9FFFFFFF  }
0xc1: {  	(tm) =	ssettm $0x7FFFFFFF  }
tec
execute0_lowered:
.L_overlay_start_1:
0x0: {  	(tag) =	ssettag $0x1  }
0x1: {  	s4 =	rddreg [dreg:$0x0]  }
0x2: {  	s0 =	rddreg [dreg:$0x1];
	s2 =	simm.s32 $0x0;
	s5 =	srdreg.scid  }
0x3: {  	s1 =	stileid.u32;
	s11 =	simm.s32 $0x0;
	[smem:$0x7FF] =	sst s2  }
0x4: {  	s3 =	sadd.s32 $0x8A00, s4;
	s5 =	sand.u32 $0x1, s5;
	s6 =	sshll.u32 s1, $0xC  }
0x5: {  	s8 =	smul.u32 $0x50000, s1;
	_ =	strace $0x8000004D;
	s7 =	sshll.u32 s5, $0xB  }
0x6: {  	s9 =	ssub.s32 $0x2, s5;
	s10 =	smul.u32 $0x28000, s5;
	s6 =	sor.u32 s7, s6  }
0x7: {  	s29 =	sshrl.u32 s9, $0x1;
	s31 =	sadd.s32 s8, s4;
	s8 =	simm.s32 $0x50  }
0x8: {  	s30 =	sadd.s32 s6, s4;
	s7 =	ssub.s32 s9, s29;
	s6 =	sadd.s32 s10, s31  }
0x9: {  	s9 =	simm.s32 $0x4000;
	s10 =	simm.s32 $0x1;
	s4 =	sadd.s32 $0x49200, s30  }
0xa: {  	s5 =	smax.u32 s7, $0x1;
	s6 =	sadd.s32 $0x59200, s6;
	s7 =	simm.s32 $0x2  }
.LBB2_1:
0xb: {  	[tilespmem:s2], [sflag:$0x2] =	stream.linear.gather [hbm4b:s4+s2], $0x4000, $0x38;
	[tilespmem:$0x6800] =	vst v63  }
0xc: {  	_ =	swait.ge [sflag:s7], $0x4000  }
0xd: {  	[sflag:s7] =	ssyncset.done $0x0  }
0xe: {  	s12 =	simm.s32 $0x0;
	[sflag:s7] =	ssyncadd.s32 $0xFFFFC000  }
0xf: {  	[tilespmem:s9], [sflag:$0x1] =	stream.indirect.gather [hbm4b:s3+s8], $0x80, s12, s8, $0xb8;
	[tilespmem:$0x6800] =	vst v63  }
0x10: {  	_ =	swait.ge [sflag:s10], $0x2800  }
0x11: {  	[sflag:s10] =	ssyncset.done $0x0  }
0x12: {  	[sflag:s10] =	ssyncadd.s32 $0xFFFFD800  }
0x13: {  	[hbm4b:s6+s2] =	stream.linear.scatter [tilespmem:s9], [sflag:$0x2], $0x2800, $0x38;
	[tilespmem:$0x6800] =	vst v63  }
0x14: {  	s13 =	simm.s32 $0x200;
	_ =	swait.ge [sflag:s7], $0x2800  }
0x15: {  	s14 =	simm.s32 $0x400;
	s12 =	sadd.s32 $0x500, s6;
	[sflag:s7] =	ssyncset.done $0x0  }
.LBB2_2:
0x16: {  	s15 =	sshra.s32 s13, $0x2  }
0x17: {  	[sflag:s7] =	ssyncadd.s32 $0xFFFFD800;
	s13 =	smov.u32 s14;
	s16 =	sadd.s32 $0x200, s14  }
0x18: {  	[tilespmem:s9], [sflag:$0x1] =	stream.indirect.gather [hbm4b:s3+s8], $0x80, s15, s8, $0xb8;
	[tilespmem:$0x6800] =	vst v63  }
0x19: {  	p0 =	sne.s32 s14, $0xFE00;
	_ =	swait.ge [sflag:s10], $0x2800  }
.Ltmp0:
0x1a: {  	[sflag:s10] =	ssyncset.done $0x0;
	(pc) =	sbr.rel @p0 .LBB2_2-.Ltmp0, $4  }
0x1b: {  	[sflag:s10] =	ssyncadd.s32 $0xFFFFD800  }
0x1c: {  	[hbm4b:s12+s2] =	stream.linear.scatter [tilespmem:s9], [sflag:$0x2], $0x2800, $0x38;
	[tilespmem:$0x6800] =	vst v63  }
0x1d: {  	_ =	swait.ge [sflag:s7], $0x2800  }
0x1e: {  	s14 =	smov.u32 s16;
	s12 =	sadd.s32 $0x500, s12;
	[sflag:s7] =	ssyncset.done $0x0  }
0x1f: {  	s13 =	sshra.s32 s13, $0x2;
	[sflag:s7] =	ssyncadd.s32 $0xFFFFD800  }
0x20: {  	[tilespmem:s9], [sflag:$0x1] =	stream.indirect.gather [hbm4b:s3+s8], $0x80, s13, s8, $0xb8;
	[tilespmem:$0x6800] =	vst v63  }
0x21: {  	s11 =	sadd.s32 $0x1, s11;
	_ =	swait.ge [sflag:s10], $0x2800  }
0x22: {  	p0 =	sne.s32 s11, s5;
	[sflag:s10] =	ssyncset.done $0x0  }
.Ltmp1:
0x23: {  	[sflag:s10] =	ssyncadd.s32 $0xFFFFD800;
	(pc) =	sbr.rel @p0 .LBB2_1-.Ltmp1, $4  }
0x24: {  	[hbm4b:s12+s2] =	stream.linear.scatter [tilespmem:s9], [sflag:$0x2], $0x2800, $0x38;
	[tilespmem:$0x6800] =	vst v63  }
0x25: {  	_ =	swait.ge [sflag:s7], $0x2800  }
0x26: {  	[sflag:s7] =	ssyncset.done $0x0  }
0x27: {  	[sflag:s7] =	ssyncadd.s32 $0xFFFFD800  }
0x28: {  	_ =	sfence.sel $0x180000  }
0x29: {  	[bflag:$0x0] =	sbarrier.arrive $0xFFFF  }
0x2a: {  	p0 =	sne.s32 s1, $0x0;
	_ =	strace $0x9000004D  }
0x2b: {  	s0 =	sadd.s32 @!p0 $0x100000, s0;
	[bflag:$0x2] =	sbarrier.arrive $0xFFFF  }
0x2c: {  	[sflag:s0] =	ssyncadd.tile.s32 @!p0 $0x1;
	_ =	shalt  }
.Lfunc_end2:
_tile_overlayer_lowered:
.L_overlay_start_2:
0x2d: {  	(tag) =	ssettag $0x2  }
0x2e: {  	s0 =	rddreg [dreg:$0x0];
	s2 =	stileid.u32  }
0x2f: {  	s1 =	rddreg [dreg:$0x1];
	p0 =	sne.s32 s2, $0x0  }
0x30: {  	s3 =	rddreg [dreg:$0x2];
	[bflag:$0x3] =	sbarrier.arrive $0xFFFF;
	s2 =	simm.s32 @!p0 $0x1C02  }
0x31: {  	[timem:s3], [sflag:s2] =	dma.local @!p0 [hbm:s0], s1  }
0x32: {  	s0 =	simm.s32 @!p0 $0x2  }
0x33: {  	_ =	swait.ge @!p0 [sflag:s0], s1  }
0x34: {  	s1 =	ssub.s32 @!p0 $0x0, s1;
	[sflag:s0] =	ssyncset.done @!p0 $0x0  }
0x35: {  	[sflag:s0] =	ssyncadd.s32 @!p0 s1  }
0x36: {  	[bflag:$0x3] =	sbarrier.arrive $0xFFFF  }
0x37: {  	_ =	shalt  }

// kernel: kernel.28.cloned.1.call-start
scs
__scs_entry_jumppad:
0x0: {  	(pc) =	sbr.rel $0x88, $3  }
0x1: {  	(tag) =	ssettag $0x0;
	lr =	simm.s32 $0x1  }
0x2: {  	[smem:$0x3F8C] =	sst lr;
	_ =	strace $0xD0000000  }
0x3: {  	_ = 	snop  }
0x4: {  	_ = 	snop  }
0x5: {  	_ = 	snop  }
0x6: {  	_ = 	snop  }
0x7: {  	_ = 	snop  }
__scs_overlays_trampoline_lowered:
0x8: {  	[smem:$0x3F9B] =	sst s0  }
0x9: {  	[smem:$0x3F9C] =	sst s1  }
0xa: {  	[smem:$0x3F9D] =	sst s2  }
0xb: {  	[smem:$0x3F9E] =	sst s3  }
0xc: {  	[smem:$0x3F9F] =	sst s4  }
0xd: {  	[smem:$0x3FA0] =	sst s5  }
0xe: {  	[smem:$0x3FA1] =	sst s6  }
0xf: {  	[smem:$0x3FA2] =	sst s7  }
0x10: {  	[smem:$0x3FA3] =	sst s8  }
0x11: {  	[smem:$0x3FA4] =	sst s9;
	s0 =	simm.s32 @!p0 $0x0  }
0x12: {  	s1 =	sld [smem:$0x3F8A];
	s0 =	simm.s32 @p0 $0x1  }
0x13: {  	[smem:$0x3FA5] =	sst s0;
	s0 =	simm.s32 @!p1 $0x0  }
0x14: {  	s2 =	sld [smem:$0x3F89];
	s0 =	simm.s32 @p1 $0x1  }
0x15: {  	[smem:$0x3FA6] =	sst s0;
	s0 =	simm.s32 @!p2 $0x0  }
0x16: {  	s3 =	sld [smem:$0x3FDB];
	s0 =	simm.s32 @p2 $0x1  }
0x17: {  	s4 =	simm.s32 $0x1BF5;
	[smem:$0x3FA8] =	sst s0  }
0x18: {  	s0 =	sld [smem:$0x3F8B];
	_ =	swait.ge [sflag:s4], $0x0  }
0x19: {  	s7 =	sld [smem:$0x3F8C]  }
0x1a: {  	s8 =	sadd.s32 $0xFFFFE003, lr  }
0x1b: {  	s9 =	sadd.s32 $0xFFFFFEF7, lr;
	s5 =	simm.s32 $0xFFFFFFFF;
	p2 =	slt.u32 s8, $0xFFFFF086  }
0x1c: {  	p1 =	slt.u32 s9, $0xF7A;
	s5 =	simm.s32 @!p2 $0x0  }
0x1d: {  	s5 =	simm.s32 @p1 $0x1;
	p0 =	seq.s32 s7, s2  }
0x1e: {  	s7 =	smul.u32 @!p0 $0xF7A, s2;
	p2 =	seq.s32 @!p0 s5, $0x0  }
0x1f: {  	s9 =	smul.u32 $0xF7A, s1;
	s8 =	simm.s32 @!p0 $0x1BF5;
	p2 =	por !p2, p0  }
0x20: {  	[sflag:s8] =	ssyncset.s32 @!p0 $0xFFFFF086;
	s6 =	sadd.s32 @!p0 s3, s7;
	s7 =	simm.s32 @!p0 $0x108  }
0x21: {  	s3 =	sadd.s32 s3, s9;
	s6 =	sadd.s32 @!p0 $0x88, s6;
	s7 =	simm.s32 @p2 $0x1082  }
0x22: {  	[simem:s7], [sflag:s8] =	dma.local @!p0 [hbm:s6], $0xF7A  }
0x23: {  	s9 =	sor.u32 $0xD0000000, s2;
	s6 =	simm.s32 $0x108;
	_ =	swait.ge @!p0 [sflag:s8], $0x0  }
0x24: {  	s3 =	sadd.s32 $0x88, s3;
	s6 =	simm.s32 @!p1 $0x1082;
	[sflag:s4] =	ssyncset.s32 $0xFFFFF086  }
0x25: {  	[simem:s6], [sflag:s4] =	dma.local [hbm:s3], $0xF7A  }
0x26: {  	[smem:$0x3F8C] =	sst s1;
	(tag) =	ssettag s2;
	_ =	strace s9  }
0x27: {  	s1 =	sld [smem:$0x3F9C]  }
0x28: {  	s2 =	sld [smem:$0x3F9D]  }
0x29: {  	s4 =	sld [smem:$0x3F9F]  }
0x2a: {  	p0 =	seq.s32 s5, $0x0;
	s5 =	sld [smem:$0x3FA0]  }
0x2b: {  	s6 =	sld [smem:$0x3FA1]  }
0x2c: {  	s7 =	sld [smem:$0x3FA2]  }
0x2d: {  	s3 =	simm.s32 $0x108;
	s8 =	sld [smem:$0x3FA3]  }
0x2e: {  	s3 =	simm.s32 @!p0 $0x1082;
	s9 =	sld [smem:$0x3FA4]  }
0x2f: {  	lr =	sadd.s32 s0, s3;
	s0 =	sld [smem:$0x3F9B]  }
0x30: {  	s3 =	sld [smem:$0x3F9E]  }
0x31: {  	[smem:$0x3FA7] =	sst s10  }
0x32: {  	s10 =	sld [smem:$0x3FA5];
	_ =	sdelay $0x3  }
0x33: {  	p0 =	seq.s32 s10, $0x1;
	s10 =	sld [smem:$0x3FA7];
	_ =	sdelay $0x3  }
0x34: {  	[smem:$0x3FA7] =	sst s10  }
0x35: {  	s10 =	sld [smem:$0x3FA6];
	_ =	sdelay $0x3  }
0x36: {  	p1 =	seq.s32 s10, $0x1;
	s10 =	sld [smem:$0x3FA7];
	_ =	sdelay $0x3  }
0x37: {  	[smem:$0x3FA7] =	sst s10  }
0x38: {  	s10 =	sld [smem:$0x3FA8]  }
0x39: {  	_ = 	snop;
	(pc) =	sbr.ind lr, $3  }
0x3a: {  	_ = 	snop  }
0x3b: {  	_ = 	snop  }
0x3c: {  	p2 =	seq.s32 s10, $0x1;
	s10 =	sld [smem:$0x3FA7]  }
0x3d: {  	_ =	shalt  }
0x3e: {  	_ =	shalt  }
0x3f: {  	_ =	shalt  }
0x40: {  	_ =	shalt  }
0x41: {  	_ =	shalt  }
0x42: {  	_ =	shalt  }
0x43: {  	_ =	shalt  }
0x44: {  	_ =	shalt  }
0x45: {  	_ =	shalt  }
0x46: {  	_ =	shalt  }
0x47: {  	_ =	shalt  }
0x48: {  	_ =	shalt  }
0x49: {  	_ =	shalt  }
0x4a: {  	_ =	shalt  }
0x4b: {  	_ =	shalt  }
0x4c: {  	_ =	shalt  }
0x4d: {  	_ =	shalt  }
0x4e: {  	_ =	shalt  }
0x4f: {  	_ =	shalt  }
0x50: {  	_ =	shalt  }
0x51: {  	_ =	shalt  }
0x52: {  	_ =	shalt  }
0x53: {  	_ =	shalt  }
0x54: {  	_ =	shalt  }
0x55: {  	_ =	shalt  }
0x56: {  	_ =	shalt  }
0x57: {  	_ =	shalt  }
0x58: {  	_ =	shalt  }
0x59: {  	_ =	shalt  }
0x5a: {  	_ =	shalt  }
0x5b: {  	_ =	shalt  }
0x5c: {  	_ =	shalt  }
0x5d: {  	_ =	shalt  }
0x5e: {  	_ =	shalt  }
0x5f: {  	_ =	shalt  }
0x60: {  	_ =	shalt  }
0x61: {  	_ =	shalt  }
0x62: {  	_ =	shalt  }
0x63: {  	_ =	shalt  }
0x64: {  	_ =	shalt  }
0x65: {  	_ =	shalt  }
0x66: {  	_ =	shalt  }
0x67: {  	_ =	shalt  }
0x68: {  	_ =	shalt  }
0x69: {  	_ =	shalt  }
0x6a: {  	_ =	shalt  }
0x6b: {  	_ =	shalt  }
0x6c: {  	_ =	shalt  }
0x6d: {  	_ =	shalt  }
0x6e: {  	_ =	shalt  }
0x6f: {  	_ =	shalt  }
0x70: {  	_ =	shalt  }
0x71: {  	_ =	shalt  }
0x72: {  	_ =	shalt  }
0x73: {  	_ =	shalt  }
0x74: {  	_ =	shalt  }
0x75: {  	_ =	shalt  }
0x76: {  	_ =	shalt  }
0x77: {  	_ =	shalt  }
0x78: {  	_ =	shalt  }
0x79: {  	_ =	shalt  }
0x7a: {  	_ =	shalt  }
0x7b: {  	_ =	shalt  }
0x7c: {  	_ =	shalt  }
0x7d: {  	_ =	shalt  }
0x7e: {  	_ =	shalt  }
0x7f: {  	_ =	shalt  }
0x80: {  	_ =	shalt  }
0x81: {  	_ =	shalt  }
0x82: {  	_ =	shalt  }
0x83: {  	_ =	shalt  }
0x84: {  	_ =	shalt  }
0x85: {  	_ =	shalt  }
0x86: {  	_ =	shalt  }
0x87: {  	_ =	shalt  }
.Lfunc_end0:
.L_simem_size_0:
called_computation.3_lowered:
.L_overlay_start_0:
0x88: {  	s2 =	sld [smem:$0x3FD9]  }
0x89: {  	s3 =	sld [smem:$0x3FFE];
	_ =	sdelay $0x1  }
0x8a: {  	s1 =	srdreg.scid  }
0x8b: {  	s0 =	sand.u32 $0x1, s1  }
0x8c: {  	s16 =	sshll.u32 s0, $0xA;
	s2 =	sadd.s32 s3, s2  }
0x8d: {  	s2 =	sadd.s32 s2, s16  }
0x8e: {  	[smem:$0x3FB3] =	sst s2  }
0x8f: {  	_ = 	snop  }
0x90: {  	(tm) =	ssettm $0x1  }
0x91: {  	s17 =	sld [smem:$0x3FFB];
	_ =	sdelay $0x3  }
0x92: {  	_ =	strace s17  }
0x93: {  	s2 =	sld [smem:$0x3FFC];
	_ =	sdelay $0x3  }
0x94: {  	_ =	strace s2  }
0x95: {  	s2 =	sld [smem:$0x3FFD];
	_ =	sdelay $0x3  }
0x96: {  	_ =	strace s2  }
0x97: {  	_ =	strace $0x8FFFFFFF  }
0x98: {  	s18 =	sld [smem:$0x3FDB];
	_ =	sdelay $0x1  }
0x99: {  	s19 =	simm.s32 $_scs_section_size  }
0x9a: {  	s4 =	simm.s32 $_size__tile_overlayer_lowered;
	s5 =	simm.s32 $_tile_overlayer_lowered  }
0x9b: {  	s22 =	simm.s32 $0x1BFF;
	s21 =	sshll.u32 s5, $0x1;
	s2 =	sadd.s32 s19, s18  }
0x9c: {  	s6 =	simm.s32 $0x0;
	s20 =	sshll.u32 s4, $0x1;
	s4 =	sadd.s32 s21, s2  }
0x9d: {  	[timem:s6], [sflag:s22] =	dma.local [hbm:s4], s20  }
0x9e: {  	_ =	swait.ge [sflag:s22], s20  }
0x9f: {  	s3 =	ssub.s32 $0x0, s20;
	[sflag:s22] =	ssyncset.done $0x0  }
0xa0: {  	[sflag:s22] =	ssyncadd.s32 s3;
	_ =	sdelay $0x1  }
0xa1: {  	s23 =	simm.s32 $0x1B8B  }
0xa2: {  	_ =	swait.ge [sflag:s23], $0x1  }
0xa3: {  	[sflag:s23] =	ssyncset.done $0x0  }
0xa4: {  	s25 =	simm.s32 $0x1B8E;
	s24 =	sld [smem:$0x3FFE];
	[sflag:s23] =	ssyncadd.s32 $0xFFFFFFFF  }
0xa5: {  	s26 =	simm.s32 $execute0_lowered;
	[smem:$0x3FD2] =	sst s25  }
0xa6: {  	s4 =	sshll.u32 s26, $0x1;
	_ =	strace $0x8000004F;
	[dreg:$0x1] =	wrdreg $0xFFFFFFFF  }
0xa7: {  	s28 =	simm.s32 $_size_execute0_lowered;
	s2 =	sadd.s32 s2, s4;
	[dreg:$0x0] =	wrdreg $0x0  }
0xa8: {  	s4 =	sshll.u32 s28, $0x1;
	[dreg:$0x2] =	wrdreg s2  }
0xa9: {  	[dreg:$0x3] =	wrdreg s4  }
0xaa: {  	[dreg:$0x4] =	wrdreg $0xC0  }
0xab: {  	_ =	task [dreg:s6], $0x5FFFF  }
0xac: {  	[dreg:$0x1] =	wrdreg $0xFFFFFFFF  }
0xad: {  	[dreg:$0x0] =	wrdreg $0x60  }
0xae: {  	[dreg:$0x2] =	wrdreg s24  }
0xaf: {  	[dreg:$0x3] =	wrdreg $0x9  }
0xb0: {  	_ =	task.clear_ibuf [dreg:s6], $0x4FFFF;
	_ =	strace $0x9000004F  }
0xb1: {  	s29 =	simm.s32 $0x9;
	_ =	strace $0x80000051  }
0xb2: {  	_ =	swait.ge [sflag:s29], $0x1  }
0xb3: {  	[sflag:s29] =	ssyncadd.s32 $0xFFFFFFFF  }
0xb4: {  	_ =	strace $0x90000051  }
0xb5: {  	_ =	sfence  }
0xb6: {  	s30 =	sld [smem:$0x0];
	_ =	sdelay $0x2  }
0xb7: {  	s31 =	sshll.u32 s1, $0xD;
	s1 =	sshrl.u32 s1, $0x2  }
0xb8: {  	s3 =	sand.u32 $0x4000, s31;
	s1 =	sadd.s32 s1, s30  }
0xb9: {  	s0 =	sor.u32 s3, s0;
	s1 =	sshll.u32 s1, $0x11  }
0xba: {  	s0 =	sor.u32 s1, s0  }
0xbb: {  	s0 =	sadd.s32 $0x8F2B, s0  }
0xbc: {  	[sflag:s0] =	ssyncadd.remote.s32 $0x1  }
0xbd: {  	_ =	sfence.sel $0xFFFF  }
0xbe: {  	[dreg:$0x0] =	wrdreg $0xFFFFFFFF;
	(pc) =	sbr.abs _section_cstart, $3  }
0xbf: {  	[dreg:$0x1] =	wrdreg $0xFFFFFFFF  }
0xc0: {  	_ =	task.clear_ibuf [dreg:s6], $0x2FFFF;
	_ =	strace $0x9FFFFFFF  }
0xc1: {  	(tm) =	ssettm $0x7FFFFFFF  }
tec
execute0_lowered:
.L_overlay_start_1:
0x0: {  	(tag) =	ssettag $0x1  }
0x1: {  	s4 =	rddreg [dreg:$0x0]  }
0x2: {  	s0 =	rddreg [dreg:$0x1];
	s2 =	simm.s32 $0x0;
	s5 =	srdreg.scid  }
0x3: {  	s1 =	stileid.u32;
	s11 =	simm.s32 $0x0;
	[smem:$0x7FF] =	sst s2  }
0x4: {  	s3 =	sadd.s32 $0x8A00, s4;
	s5 =	sand.u32 $0x1, s5;
	s6 =	sshll.u32 s1, $0xC  }
0x5: {  	s8 =	smul.u32 $0x50000, s1;
	_ =	strace $0x80000050;
	s7 =	sshll.u32 s5, $0xB  }
0x6: {  	s9 =	ssub.s32 $0x2, s5;
	s10 =	smul.u32 $0x28000, s5;
	s6 =	sor.u32 s7, s6  }
0x7: {  	s29 =	sshrl.u32 s9, $0x1;
	s31 =	sadd.s32 s8, s4;
	s8 =	simm.s32 $0x50  }
0x8: {  	s30 =	sadd.s32 s6, s4;
	s7 =	ssub.s32 s9, s29;
	s6 =	sadd.s32 s10, s31  }
0x9: {  	s9 =	simm.s32 $0x4000;
	s10 =	simm.s32 $0x1;
	s4 =	sadd.s32 $0x49400, s30  }
0xa: {  	s5 =	smax.u32 s7, $0x1;
	s6 =	sadd.s32 $0x59400, s6;
	s7 =	simm.s32 $0x2  }
.LBB2_1:
0xb: {  	[tilespmem:s2], [sflag:$0x2] =	stream.linear.gather [hbm4b:s4+s2], $0x4000, $0x38;
	[tilespmem:$0x6800] =	vst v63  }
0xc: {  	_ =	swait.ge [sflag:s7], $0x4000  }
0xd: {  	[sflag:s7] =	ssyncset.done $0x0  }
0xe: {  	s12 =	simm.s32 $0x0;
	[sflag:s7] =	ssyncadd.s32 $0xFFFFC000  }
0xf: {  	[tilespmem:s9], [sflag:$0x1] =	stream.indirect.gather [hbm4b:s3+s8], $0x80, s12, s8, $0xb8;
	[tilespmem:$0x6800] =	vst v63  }
0x10: {  	_ =	swait.ge [sflag:s10], $0x2800  }
0x11: {  	[sflag:s10] =	ssyncset.done $0x0  }
0x12: {  	[sflag:s10] =	ssyncadd.s32 $0xFFFFD800  }
0x13: {  	[hbm4b:s6+s2] =	stream.linear.scatter [tilespmem:s9], [sflag:$0x2], $0x2800, $0x38;
	[tilespmem:$0x6800] =	vst v63  }
0x14: {  	s13 =	simm.s32 $0x200;
	_ =	swait.ge [sflag:s7], $0x2800  }
0x15: {  	s14 =	simm.s32 $0x400;
	s12 =	sadd.s32 $0x500, s6;
	[sflag:s7] =	ssyncset.done $0x0  }
.LBB2_2:
0x16: {  	s15 =	sshra.s32 s13, $0x2  }
0x17: {  	[sflag:s7] =	ssyncadd.s32 $0xFFFFD800;
	s13 =	smov.u32 s14;
	s16 =	sadd.s32 $0x200, s14  }
0x18: {  	[tilespmem:s9], [sflag:$0x1] =	stream.indirect.gather [hbm4b:s3+s8], $0x80, s15, s8, $0xb8;
	[tilespmem:$0x6800] =	vst v63  }
0x19: {  	p0 =	sne.s32 s14, $0xFE00;
	_ =	swait.ge [sflag:s10], $0x2800  }
.Ltmp0:
0x1a: {  	[sflag:s10] =	ssyncset.done $0x0;
	(pc) =	sbr.rel @p0 .LBB2_2-.Ltmp0, $4  }
0x1b: {  	[sflag:s10] =	ssyncadd.s32 $0xFFFFD800  }
0x1c: {  	[hbm4b:s12+s2] =	stream.linear.scatter [tilespmem:s9], [sflag:$0x2], $0x2800, $0x38;
	[tilespmem:$0x6800] =	vst v63  }
0x1d: {  	_ =	swait.ge [sflag:s7], $0x2800  }
0x1e: {  	s14 =	smov.u32 s16;
	s12 =	sadd.s32 $0x500, s12;
	[sflag:s7] =	ssyncset.done $0x0  }
0x1f: {  	s13 =	sshra.s32 s13, $0x2;
	[sflag:s7] =	ssyncadd.s32 $0xFFFFD800  }
0x20: {  	[tilespmem:s9], [sflag:$0x1] =	stream.indirect.gather [hbm4b:s3+s8], $0x80, s13, s8, $0xb8;
	[tilespmem:$0x6800] =	vst v63  }
0x21: {  	s11 =	sadd.s32 $0x1, s11;
	_ =	swait.ge [sflag:s10], $0x2800  }
0x22: {  	p0 =	sne.s32 s11, s5;
	[sflag:s10] =	ssyncset.done $0x0  }
.Ltmp1:
0x23: {  	[sflag:s10] =	ssyncadd.s32 $0xFFFFD800;
	(pc) =	sbr.rel @p0 .LBB2_1-.Ltmp1, $4  }
0x24: {  	[hbm4b:s12+s2] =	stream.linear.scatter [tilespmem:s9], [sflag:$0x2], $0x2800, $0x38;
	[tilespmem:$0x6800] =	vst v63  }
0x25: {  	_ =	swait.ge [sflag:s7], $0x2800  }
0x26: {  	[sflag:s7] =	ssyncset.done $0x0  }
0x27: {  	[sflag:s7] =	ssyncadd.s32 $0xFFFFD800  }
0x28: {  	_ =	sfence.sel $0x180000  }
0x29: {  	[bflag:$0x0] =	sbarrier.arrive $0xFFFF  }
0x2a: {  	p0 =	sne.s32 s1, $0x0;
	_ =	strace $0x90000050  }
0x2b: {  	s0 =	sadd.s32 @!p0 $0x100000, s0;
	[bflag:$0x2] =	sbarrier.arrive $0xFFFF  }
0x2c: {  	[sflag:s0] =	ssyncadd.tile.s32 @!p0 $0x1;
	_ =	shalt  }
.Lfunc_end2:
_tile_overlayer_lowered:
.L_overlay_start_2:
0x2d: {  	(tag) =	ssettag $0x2  }
0x2e: {  	s0 =	rddreg [dreg:$0x0];
	s2 =	stileid.u32  }
0x2f: {  	s1 =	rddreg [dreg:$0x1];
	p0 =	sne.s32 s2, $0x0  }
0x30: {  	s3 =	rddreg [dreg:$0x2];
	[bflag:$0x3] =	sbarrier.arrive $0xFFFF;
	s2 =	simm.s32 @!p0 $0x1C02  }
0x31: {  	[timem:s3], [sflag:s2] =	dma.local @!p0 [hbm:s0], s1  }
0x32: {  	s0 =	simm.s32 @!p0 $0x2  }
0x33: {  	_ =	swait.ge @!p0 [sflag:s0], s1  }
0x34: {  	s1 =	ssub.s32 @!p0 $0x0, s1;
	[sflag:s0] =	ssyncset.done @!p0 $0x0  }
0x35: {  	[sflag:s0] =	ssyncadd.s32 @!p0 s1  }
0x36: {  	[bflag:$0x3] =	sbarrier.arrive $0xFFFF  }
0x37: {  	_ =	shalt  }

</sc_bundles>
